<compile_context>
chip_gen: v7x
topology: tpu7x:2x2x1
jax: 0.10.2.dev20260603
libtpu: 0.0.44.dev20260713+nightly
codegen_flags: <defaults>
</compile_context>

<pallas_src>
import functools

import jax
import jax.numpy as jnp
from jax import lax
from jax.experimental import pallas as pl
from jax.experimental.pallas import tpu as pltpu
from jax.experimental.pallas import tpu_sc as plsc

D = 36
N_ROWS = 65536
NC = 2
NS = 16
NW = NC * NS
RPW = N_ROWS // NW
L = 16
CH = 512
NCHUNK = 1
STEPS = CH // L


def _sc_scan(prog, stack, coeffs):
    mesh = plsc.VectorSubcoreMesh(
        core_axis_name="c", subcore_axis_name="s",
        num_cores=NC, num_subcores=NS)

    @functools.partial(
        pl.kernel,
        out_type=jax.ShapeDtypeStruct((NW, 12, L), jnp.float32),
        mesh=mesh,
        compiler_params=pltpu.CompilerParams(needs_layout_passes=False),
        scratch_types=[
            pltpu.VMEM((CH, D), jnp.float32),
            pltpu.VMEM((L,), jnp.float32),
            pltpu.VMEM((12, L), jnp.float32),
        ],
    )
    def k(prog_hbm, stack_hbm, coef_hbm, out_hbm, buf, cbuf, rbuf):
        wid = lax.axis_index("c") * NS + lax.axis_index("s")
        base = wid * RPW
        lane = lax.broadcasted_iota(jnp.int32, (L,), 0)

        def col(j):
            return jnp.full((L,), j, jnp.int32)

        pltpu.sync_copy(coef_hbm, cbuf)
        cv = cbuf[...]
        cp0, cp1, ca0, ca1, cb0, cb1 = cv[0], cv[1], cv[2], cv[3], cv[4], cv[5]

        c3, c4, c5, c6, c7, c8 = col(3), col(4), col(5), col(6), col(7), col(8)
        neg_inf = jnp.full((L,), -jnp.inf, jnp.float32)
        zf = jnp.zeros((L,), jnp.float32)
        zi = jnp.zeros((L,), jnp.int32)
        m, bi, v7, v8 = neg_inf, zi, zf, zf
        for ci in range(NCHUNK):
            pltpu.sync_copy(prog_hbm.at[pl.ds(base + ci * CH, CH)], buf)

            def pstep(i, carry, _off=ci * CH):
                m, bi, v7, v8 = carry
                lrows = lane + i * L
                k0 = plsc.load_gather(buf, [lrows, c3])
                k1 = plsc.load_gather(buf, [lrows, c4])
                g7 = plsc.load_gather(buf, [lrows, c7])
                g8 = plsc.load_gather(buf, [lrows, c8])
                sc = k0 * cp0 + k1 * cp1
                gt = sc > m
                rows = lrows + _off
                return (jnp.where(gt, sc, m), jnp.where(gt, rows, bi),
                        jnp.where(gt, g7, v7), jnp.where(gt, g8, v8))

            m, bi, v7, v8 = lax.fori_loop(0, STEPS, pstep, (m, bi, v7, v8))
        rbuf[0] = m
        rbuf[1] = (bi + base).astype(jnp.float32)
        rbuf[2] = v7
        rbuf[3] = v8

        ma, ia, a8, a5 = neg_inf, zi, zf, zf
        mb, ib, b8, b5 = neg_inf, zi, zf, zf
        for ci in range(NCHUNK):
            pltpu.sync_copy(stack_hbm.at[pl.ds(base + ci * CH, CH)], buf)

            def sstep(i, carry, _off=ci * CH):
                ma, ia, a8, a5, mb, ib, b8, b5 = carry
                lrows = lane + i * L
                k0 = plsc.load_gather(buf, [lrows, c5])
                k1 = plsc.load_gather(buf, [lrows, c6])
                g8 = plsc.load_gather(buf, [lrows, c8])
                sa = k0 * ca0 + k1 * ca1
                sb = k0 * cb0 + k1 * cb1
                ga = sa > ma
                gb = sb > mb
                rows = lrows + _off
                return (jnp.where(ga, sa, ma), jnp.where(ga, rows, ia),
                        jnp.where(ga, g8, a8), jnp.where(ga, k0, a5),
                        jnp.where(gb, sb, mb), jnp.where(gb, rows, ib),
                        jnp.where(gb, g8, b8), jnp.where(gb, k0, b5))

            ma, ia, a8, a5, mb, ib, b8, b5 = lax.fori_loop(
                0, STEPS, sstep, (ma, ia, a8, a5, mb, ib, b8, b5))
        rbuf[4] = ma
        rbuf[5] = (ia + base).astype(jnp.float32)
        rbuf[6] = a8
        rbuf[7] = a5
        rbuf[8] = mb
        rbuf[9] = (ib + base).astype(jnp.float32)
        rbuf[10] = b8
        rbuf[11] = b5
        pltpu.sync_copy(rbuf, out_hbm.at[wid])

    return k(prog, stack, coeffs)


def _tc_merge(partials, query2d, mtop, spd2d):

    def body(p_ref, q_ref, mt_ref, sp_ref, o_ref):
        P = p_ref[...]
        Q = q_ref[...]
        li36 = lax.broadcasted_iota(jnp.int32, (1, D), 1)
        q10 = jnp.sum(jnp.where(li36 == 10, Q, 0.0))

        def head(p):
            s = P[:, p * L:(p + 1) * L]
            ix = P[:, (p + 1) * L:(p + 2) * L]
            m = jnp.max(s)
            tie = s == m
            i = jnp.min(jnp.where(tie, ix, jnp.float32(3.4e38)))
            sel = tie & (ix == i)
            va = jnp.sum(jnp.where(sel, P[:, (p + 2) * L:(p + 3) * L], 0.0))
            vb = jnp.sum(jnp.where(sel, P[:, (p + 3) * L:(p + 4) * L], 0.0))
            return va, vb

        v7, v8 = head(0)
        a8, a5 = head(4)
        b8, b5 = head(8)

        opcode = jnp.round(v7)
        arg = jnp.round(v8)
        qsp = jnp.round(q10)
        addr_a = jnp.round(a5 * 0.5)
        val_a = jnp.where(addr_a == qsp, a8, 0.0)
        addr_b = jnp.round(b5 * 0.5)
        val_b = jnp.where(addr_b == qsp - 1.0, b8, 0.0)

        valid = (opcode >= 1.0) & (opcode <= 9.0)
        safe = jnp.clip(opcode - 1.0, 0.0, 8.0).astype(jnp.int32)

        ri9 = lax.broadcasted_iota(jnp.int32, (9, 3), 0)
        ci3 = lax.broadcasted_iota(jnp.int32, (9, 3), 1)
        vrow = jnp.where(ci3 == 0, arg, jnp.where(ci3 == 1, val_a, val_b))
        top = jnp.sum(jnp.where(ri9 == safe, mt_ref[...] * vrow, 0.0))
        top = jnp.where(valid, top, 0.0)

        li9 = lax.broadcasted_iota(jnp.int32, (1, 9), 1)
        spdelta = jnp.sum(jnp.where(li9 == safe, sp_ref[...], 0.0))
        spdelta = jnp.where(valid, spdelta, 0.0)

        lo = lax.broadcasted_iota(jnp.int32, (1, L), 1)
        r = jnp.where(lo == 0, opcode, 0.0)
        r = jnp.where(lo == 1, arg, r)
        r = jnp.where(lo == 2, spdelta, r)
        r = jnp.where(lo == 3, top, r)
        oh = valid & (lo >= 4) & (lo <= 12) & ((lo - 4) == safe)
        r = jnp.where(oh, 1.0, r)
        o_ref[...] = r

    return pl.pallas_call(
        body,
        out_shape=jax.ShapeDtypeStruct((1, L), jnp.float32),
    )(partials, query2d, mtop, spd2d)


def kernel(query_emb, prog_embs, stack_embs, Wq_po, Wk_po, Wv_po, Wq_pa,
           Wk_pa, Wv_pa, Wq_sa, Wk_sa, Wv_sa, Wq_sb, bq_sb, Wk_sb, Wv_sb,
           M_top, sp_deltas):
    qp = Wq_po @ query_emb
    qs = Wq_sa @ query_emb
    qb = Wq_sb @ query_emb + bq_sb
    coeffs = jnp.concatenate([qp, qs, qb, jnp.zeros((10,), jnp.float32)])
    partials = _sc_scan(prog_embs, stack_embs, coeffs)
    out = _tc_merge(partials.reshape(NW, 12 * L), query_emb.reshape(1, D),
                    M_top, sp_deltas.reshape(1, 9))
    return out[0, :13]

# --- scband reference (transcript-rebuilt; emitter-appended) ---
"""Pipeline reference for scband-percepta-model-16441134809182 (READ-ONLY COPY).

The authoritative reference and input builder live on the scoring server;
editing this copy changes nothing except your own understanding.
"""

import jax, jax.numpy as jnp
import numpy as np

D = 36
N_PROG = 65536
N_STACK = 65536
DIM_IP = 9; DIM_ONE = 11; DIM_OPCODE = 7
DIM_PK0 = 3; DIM_PK1 = 4
DIM_SP = 10; DIM_SK0 = 5; DIM_SK1 = 6; DIM_VALUE = 8


def _compiled_weights():
    def z(*s):
        return np.zeros(s, np.float32)
    Wq_po = z(2, D); Wq_po[0, DIM_IP] = 1.0; Wq_po[1, DIM_ONE] = 1.0
    Wk_po = z(2, D); Wk_po[0, DIM_PK0] = 1.0; Wk_po[1, DIM_PK1] = 1.0
    Wv_po = z(1, D); Wv_po[0, DIM_OPCODE] = 1.0
    Wq_pa = Wq_po.copy(); Wk_pa = Wk_po.copy()
    Wv_pa = z(1, D); Wv_pa[0, DIM_VALUE] = 1.0
    Wq_sa = z(2, D); Wq_sa[0, DIM_SP] = 1.0; Wq_sa[1, DIM_ONE] = 1.0
    Wk_sa = z(2, D); Wk_sa[0, DIM_SK0] = 1.0; Wk_sa[1, DIM_SK1] = 1.0
    Wv_sa = z(1, D); Wv_sa[0, DIM_VALUE] = 1.0
    Wq_sb = Wq_sa.copy(); bq_sb = np.array([-1.0, 0.0], np.float32)
    Wk_sb = Wk_sa.copy(); Wv_sb = Wv_sa.copy()
    M_top = np.array([[1, 0, 0], [0, 0, 1], [0, 1, 1], [0, 1, 0], [0, 1, 0], [0, -1, 1], [0, 0, 1], [0, 0, 1], [0, 1, 0]], np.float32)
    sp_deltas = np.array([1, -1, -1, 1, 0, -1, -1, -1, 0], np.float32)
    names = ['Wq_po', 'Wk_po', 'Wv_po', 'Wq_pa', 'Wk_pa', 'Wv_pa', 'Wq_sa', 'Wk_sa', 'Wv_sa', 'Wq_sb', 'bq_sb', 'Wk_sb', 'Wv_sb', 'M_top', 'sp_deltas']
    vals = [Wq_po, Wk_po, Wv_po, Wq_pa, Wk_pa, Wv_pa, Wq_sa, Wk_sa, Wv_sa, Wq_sb, bq_sb, Wk_sb, Wv_sb, M_top, sp_deltas]
    return {n: jnp.asarray(v) for n, v in zip(names, vals)}


def setup_inputs(seed: int = 0):
    key = jax.random.key(seed)
    k1, k2, k3, k4 = jax.random.split(key, 4)
    query_emb = jax.random.normal(k1, (D,), dtype=jnp.float32)
    prog_embs = jax.random.normal(k2, (N_PROG, D), dtype=jnp.float32)
    opcodes = jax.random.randint(k4, (N_PROG,), 1, 10).astype(jnp.float32)
    prog_embs = prog_embs.at[:, DIM_OPCODE].set(opcodes)
    stack_embs = jax.random.normal(k3, (N_STACK, D), dtype=jnp.float32)
    inp = {'query_emb': query_emb, 'prog_embs': prog_embs, 'stack_embs': stack_embs}
    inp.update(_compiled_weights())
    return inp


def _head(Wq, Wk, Wv, query, mem, bq=None):
    q = Wq @ query
    if bq is not None:
        q = q + bq
    K = mem @ Wk.T
    V = mem @ Wv.T
    scores = K @ q
    best = jnp.argmax(scores)
    return V[best], scores[best], best


def _forward(query_emb, prog_embs, stack_embs, Wq_po, Wk_po, Wv_po, Wq_pa, Wk_pa, Wv_pa, Wq_sa, Wk_sa, Wv_sa, Wq_sb, bq_sb, Wk_sb, Wv_sb, M_top, sp_deltas):
    opcode_val, _, _ = _head(Wq_po, Wk_po, Wv_po, query_emb, prog_embs)
    arg_val, _, _ = _head(Wq_pa, Wk_pa, Wv_pa, query_emb, prog_embs)
    va, _, ia = _head(Wq_sa, Wk_sa, Wv_sa, query_emb, stack_embs)
    qsp = jnp.round(query_emb[DIM_SP])
    addr_a = jnp.round(stack_embs[ia, DIM_SK0] / 2.0)
    val_a = jnp.where(addr_a == qsp, va[0], 0.0)
    vb, _, ib = _head(Wq_sb, Wk_sb, Wv_sb, query_emb, stack_embs, bq_sb)
    addr_b = jnp.round(stack_embs[ib, DIM_SK0] / 2.0)
    val_b = jnp.where(addr_b == qsp - 1.0, vb[0], 0.0)
    opcode = jnp.round(opcode_val[0])
    arg = jnp.round(arg_val[0])
    valid = (opcode >= 1.0) & (opcode <= 9.0)
    safe_idx = jnp.clip(opcode - 1.0, 0.0, 8.0).astype(jnp.int32)
    one_hot = jnp.where(valid, jax.nn.one_hot(safe_idx, 9, dtype=jnp.float32), jnp.zeros(9, jnp.float32))
    values = jnp.stack([arg, val_a, val_b])
    top = jnp.where(valid, M_top[safe_idx] @ values, 0.0)
    sp_delta = jnp.where(valid, sp_deltas[safe_idx], 0.0)
    return jnp.concatenate([jnp.stack([opcode, arg, sp_delta, top]), one_hot])


def reference(query_emb, prog_embs, stack_embs, Wq_po, Wk_po, Wv_po, Wq_pa, Wk_pa, Wv_pa, Wq_sa, Wk_sa, Wv_sa, Wq_sb, bq_sb, Wk_sb, Wv_sb, M_top, sp_deltas):
    return _forward(query_emb, prog_embs, stack_embs, Wq_po, Wk_po, Wv_po, Wq_pa, Wk_pa, Wv_pa, Wq_sa, Wk_sa, Wv_sa, Wq_sb, bq_sb, Wk_sb, Wv_sb, M_top, sp_deltas)

if __name__ == "__main__":
    import jax
    _d = setup_inputs()
    print(jax.jit(kernel)(*tuple(_d.values())))

</pallas_src>

<mosaic_0001>
#map = affine_map<(d0, d1) -> (0, 0)>
#map1 = affine_map<(d0, d1) -> (0)>
#map2 = affine_map<(d0, d1) -> (0, 0, 0)>
module attributes {stable_mosaic.version = 14 : i64} {
  func.func @k(%arg0: i32, %arg1: i32, %arg2: memref<65536x36xf32, #tpu.memory_space<hbm>>, %arg3: memref<65536x36xf32, #tpu.memory_space<hbm>>, %arg4: memref<16xf32, #tpu.memory_space<hbm>>, %arg5: memref<32x12x16xf32, #tpu.memory_space<hbm>>, %arg6: memref<512x36xf32, #tpu.memory_space<vmem>>, %arg7: memref<16xf32, #tpu.memory_space<vmem>>, %arg8: memref<12x16xf32, #tpu.memory_space<vmem>>) attributes {dimension_semantics = [#tpu.dimension_semantics<core_parallel>, #tpu.dimension_semantics<subcore_parallel>], iteration_bounds = array<i64: 2, 16>, scalar_prefetch = 0 : i64, scratch_operands = 3 : i64, tpu.core_type = #tpu.core_type<sc_vector_subcore>, window_params = [{transform_indices = #map}, {transform_indices = #map}, {transform_indices = #map1}, {transform_indices = #map2}]} {
    %mul3A = arith.constant 16 : i32
    %mul3A_0 = arith.muli %arg0, %mul3A : i32
    %add3A = arith.addi %mul3A_0, %arg1 : i32
    %mul3A_1 = arith.constant 2048 : i32
    %mul3A_2 = arith.muli %add3A, %mul3A_1 : i32
    %iota3A = tpu.iota {dimensions = array<i32: 0>} : vector<16xi32>
    "tpu.region"() ({
      %run_scoped3A = tpu.sem_alloc : memref<!tpu.dma_semaphore, #tpu.memory_space<semaphore_mem>>
      tpu.enqueue_dma source(%arg4 : memref<16xf32, #tpu.memory_space<hbm>>) target(%arg7 : memref<16xf32, #tpu.memory_space<vmem>>) target_semaphore(%run_scoped3A : memref<!tpu.dma_semaphore, #tpu.memory_space<semaphore_mem>>)
      tpu.wait_dma2 semaphore(%run_scoped3A : memref<!tpu.dma_semaphore, #tpu.memory_space<semaphore_mem>>) src(%arg4 : memref<16xf32, #tpu.memory_space<hbm>>) dst(%arg7 : memref<16xf32, #tpu.memory_space<vmem>>)
      tpu.yield
    }) : () -> ()
    %get3A = arith.constant 0 : index
    %get3A_3 = tpu.vector_load %arg7[%get3A] {strides = array<i32>} : memref<16xf32, #tpu.memory_space<vmem>>, vector<16xf32>,
    %slice3A = vector.extract_strided_slice %get3A_3 {offsets = [0], sizes = [1], strides = [1]} : vector<16xf32> to vector<1xf32>
    %squeeze3A = vector.extract %slice3A[0] : f32 from vector<1xf32>
    %slice3A_4 = vector.extract_strided_slice %get3A_3 {offsets = [1], sizes = [1], strides = [1]} : vector<16xf32> to vector<1xf32>
    %squeeze3A_5 = vector.extract %slice3A_4[0] : f32 from vector<1xf32>
    %slice3A_6 = vector.extract_strided_slice %get3A_3 {offsets = [2], sizes = [1], strides = [1]} : vector<16xf32> to vector<1xf32>
    %squeeze3A_7 = vector.extract %slice3A_6[0] : f32 from vector<1xf32>
    %slice3A_8 = vector.extract_strided_slice %get3A_3 {offsets = [3], sizes = [1], strides = [1]} : vector<16xf32> to vector<1xf32>
    %squeeze3A_9 = vector.extract %slice3A_8[0] : f32 from vector<1xf32>
    %slice3A_10 = vector.extract_strided_slice %get3A_3 {offsets = [4], sizes = [1], strides = [1]} : vector<16xf32> to vector<1xf32>
    %squeeze3A_11 = vector.extract %slice3A_10[0] : f32 from vector<1xf32>
    %slice3A_12 = vector.extract_strided_slice %get3A_3 {offsets = [5], sizes = [1], strides = [1]} : vector<16xf32> to vector<1xf32>
    %squeeze3A_13 = vector.extract %slice3A_12[0] : f32 from vector<1xf32>
    %broadcast_in_dim3A = arith.constant 3 : i32
    %broadcast_in_dim3A_14 = vector.broadcast %broadcast_in_dim3A : i32 to vector<16xi32>
    %broadcast_in_dim3A_15 = arith.constant 4 : i32
    %broadcast_in_dim3A_16 = vector.broadcast %broadcast_in_dim3A_15 : i32 to vector<16xi32>
    %broadcast_in_dim3A_17 = arith.constant 5 : i32
    %broadcast_in_dim3A_18 = vector.broadcast %broadcast_in_dim3A_17 : i32 to vector<16xi32>
    %broadcast_in_dim3A_19 = arith.constant 6 : i32
    %broadcast_in_dim3A_20 = vector.broadcast %broadcast_in_dim3A_19 : i32 to vector<16xi32>
    %broadcast_in_dim3A_21 = arith.constant 7 : i32
    %broadcast_in_dim3A_22 = vector.broadcast %broadcast_in_dim3A_21 : i32 to vector<16xi32>
    %broadcast_in_dim3A_23 = arith.constant 8 : i32
    %broadcast_in_dim3A_24 = vector.broadcast %broadcast_in_dim3A_23 : i32 to vector<16xi32>
    %broadcast_in_dim3A_25 = arith.constant 0xFF800000 : f32
    %broadcast_in_dim3A_26 = vector.broadcast %broadcast_in_dim3A_25 : f32 to vector<16xf32>
    %broadcast_in_dim3A_27 = arith.constant 0.000000e+00 : f32
    %broadcast_in_dim3A_28 = vector.broadcast %broadcast_in_dim3A_27 : f32 to vector<16xf32>
    %broadcast_in_dim3A_29 = arith.constant 0 : i32
    %broadcast_in_dim3A_30 = vector.broadcast %broadcast_in_dim3A_29 : i32 to vector<16xi32>
    %add3A_31 = arith.constant 0 : i32
    %add3A_32 = arith.addi %mul3A_2, %add3A_31 : i32
    "tpu.region"() ({
      %run_scoped3A = tpu.sem_alloc : memref<!tpu.dma_semaphore, #tpu.memory_space<semaphore_mem>>
      %dma_start3A = arith.constant 0 : i32
      %dma_start3A_101 = tpu.memref_slice %arg2[%add3A_32, %dma_start3A] : memref<65536x36xf32, #tpu.memory_space<hbm>> -> memref<512x36xf32, #tpu.memory_space<hbm>>
      %dma_start3A_102 = arith.constant 0 : i32
      %dma_start3A_103 = tpu.memref_slice %arg2[%add3A_32, %dma_start3A_102] : memref<65536x36xf32, #tpu.memory_space<hbm>> -> memref<512x36xf32, #tpu.memory_space<hbm>>
      tpu.enqueue_dma source(%dma_start3A_103 : memref<512x36xf32, #tpu.memory_space<hbm>>) target(%arg6 : memref<512x36xf32, #tpu.memory_space<vmem>>) target_semaphore(%run_scoped3A : memref<!tpu.dma_semaphore, #tpu.memory_space<semaphore_mem>>)
      %dma_wait3A = arith.constant 0 : i32
      %dma_wait3A_104 = tpu.memref_slice %arg2[%add3A_32, %dma_wait3A] : memref<65536x36xf32, #tpu.memory_space<hbm>> -> memref<512x36xf32, #tpu.memory_space<hbm>>
      %dma_wait3A_105 = arith.constant 0 : i32
      %dma_wait3A_106 = tpu.memref_slice %arg2[%add3A_32, %dma_wait3A_105] : memref<65536x36xf32, #tpu.memory_space<hbm>> -> memref<512x36xf32, #tpu.memory_space<hbm>>
      tpu.wait_dma2 semaphore(%run_scoped3A : memref<!tpu.dma_semaphore, #tpu.memory_space<semaphore_mem>>) src(%dma_wait3A_106 : memref<512x36xf32, #tpu.memory_space<hbm>>) dst(%arg6 : memref<512x36xf32, #tpu.memory_space<vmem>>)
      tpu.yield
    }) : () -> ()
    %scan3A = arith.constant 0 : i32
    %scan3A_33 = arith.constant 32 : i32
    %scan3A_34 = arith.addi %scan3A, %scan3A_33 : i32
    %scan3A_35 = arith.constant 1 : i32
    %scan3A_36:4 = scf.for %scan3A_101 = %scan3A to %scan3A_34 step %scan3A_35 iter_args(%scan3A_102 = %broadcast_in_dim3A_26, %scan3A_103 = %broadcast_in_dim3A_30, %scan3A_104 = %broadcast_in_dim3A_28, %scan3A_105 = %broadcast_in_dim3A_28) -> (vector<16xf32>, vector<16xi32>, vector<16xf32>, vector<16xf32>)  : i32 {
      %mul3A_106 = arith.constant 16 : i32
      %mul3A_107 = arith.muli %scan3A_101, %mul3A_106 : i32
      %add3A_108 = vector.broadcast %mul3A_107 : i32 to vector<16xi32>
      %add3A_109 = arith.addi %iota3A, %add3A_108 : vector<16xi32>
      %gather3A = tpu.vector_load_idx %arg6[%add3A_109, %broadcast_in_dim3A_14] : memref<512x36xf32, #tpu.memory_space<vmem>>[vector<16xi32>, vector<16xi32>], vector<16xf32>,
      %gather3A_110 = tpu.vector_load_idx %arg6[%add3A_109, %broadcast_in_dim3A_16] : memref<512x36xf32, #tpu.memory_space<vmem>>[vector<16xi32>, vector<16xi32>], vector<16xf32>,
      %gather3A_111 = tpu.vector_load_idx %arg6[%add3A_109, %broadcast_in_dim3A_22] : memref<512x36xf32, #tpu.memory_space<vmem>>[vector<16xi32>, vector<16xi32>], vector<16xf32>,
      %gather3A_112 = tpu.vector_load_idx %arg6[%add3A_109, %broadcast_in_dim3A_24] : memref<512x36xf32, #tpu.memory_space<vmem>>[vector<16xi32>, vector<16xi32>], vector<16xf32>,
      %mul3A_113 = vector.broadcast %squeeze3A : f32 to vector<16xf32>
      %mul3A_114 = arith.mulf %gather3A, %mul3A_113 : vector<16xf32>
      %mul3A_115 = vector.broadcast %squeeze3A_5 : f32 to vector<16xf32>
      %mul3A_116 = arith.mulf %gather3A_110, %mul3A_115 : vector<16xf32>
      %add3A_117 = arith.addf %mul3A_114, %mul3A_116 : vector<16xf32>
      %gt3A = arith.cmpf ogt, %add3A_117, %scan3A_102 : vector<16xf32>
      %add3A_118 = arith.constant 0 : i32
      %add3A_119 = vector.broadcast %add3A_118 : i32 to vector<16xi32>
      %add3A_120 = arith.addi %add3A_109, %add3A_119 : vector<16xi32>
      %select_n3A = arith.select %gt3A, %add3A_117, %scan3A_102 : vector<16xi1>, vector<16xf32>
      %select_n3A_121 = arith.select %gt3A, %add3A_120, %scan3A_103 : vector<16xi1>, vector<16xi32>
      %select_n3A_122 = arith.select %gt3A, %gather3A_111, %scan3A_104 : vector<16xi1>, vector<16xf32>
      %select_n3A_123 = arith.select %gt3A, %gather3A_112, %scan3A_105 : vector<16xi1>, vector<16xf32>
      scf.yield %select_n3A, %select_n3A_121, %select_n3A_122, %select_n3A_123 : vector<16xf32>, vector<16xi32>, vector<16xf32>, vector<16xf32>
    }
    %scan3A_37 = arith.constant 32 : i32
    %swap3A = arith.constant 0 : i32
    %swap3A_38 = arith.index_cast %swap3A : i32 to index
    %swap3A_39 = arith.constant 0 : index
    %swap3A_40 = tpu.vector_load %arg8[%swap3A_38, %swap3A_39] {strides = array<i32>} : memref<12x16xf32, #tpu.memory_space<vmem>>, vector<16xf32>,
    tpu.vector_store %arg8[%swap3A_38, %swap3A_39], %scan3A_36#0 {strides = array<i32>} : memref<12x16xf32, #tpu.memory_space<vmem>>, vector<16xf32>,
    %add3A_41 = vector.broadcast %mul3A_2 : i32 to vector<16xi32>
    %add3A_42 = arith.addi %scan3A_36#1, %add3A_41 : vector<16xi32>
    %convert_element_type3A = arith.sitofp %add3A_42 : vector<16xi32> to vector<16xf32>
    %swap3A_43 = arith.constant 1 : i32
    %swap3A_44 = arith.index_cast %swap3A_43 : i32 to index
    %swap3A_45 = arith.constant 0 : index
    %swap3A_46 = tpu.vector_load %arg8[%swap3A_44, %swap3A_45] {strides = array<i32>} : memref<12x16xf32, #tpu.memory_space<vmem>>, vector<16xf32>,
    tpu.vector_store %arg8[%swap3A_44, %swap3A_45], %convert_element_type3A {strides = array<i32>} : memref<12x16xf32, #tpu.memory_space<vmem>>, vector<16xf32>,
    %swap3A_47 = arith.constant 2 : i32
    %swap3A_48 = arith.index_cast %swap3A_47 : i32 to index
    %swap3A_49 = arith.constant 0 : index
    %swap3A_50 = tpu.vector_load %arg8[%swap3A_48, %swap3A_49] {strides = array<i32>} : memref<12x16xf32, #tpu.memory_space<vmem>>, vector<16xf32>,
    tpu.vector_store %arg8[%swap3A_48, %swap3A_49], %scan3A_36#2 {strides = array<i32>} : memref<12x16xf32, #tpu.memory_space<vmem>>, vector<16xf32>,
    %swap3A_51 = arith.constant 3 : i32
    %swap3A_52 = arith.index_cast %swap3A_51 : i32 to index
    %swap3A_53 = arith.constant 0 : index
    %swap3A_54 = tpu.vector_load %arg8[%swap3A_52, %swap3A_53] {strides = array<i32>} : memref<12x16xf32, #tpu.memory_space<vmem>>, vector<16xf32>,
    tpu.vector_store %arg8[%swap3A_52, %swap3A_53], %scan3A_36#3 {strides = array<i32>} : memref<12x16xf32, #tpu.memory_space<vmem>>, vector<16xf32>,
    %add3A_55 = arith.constant 0 : i32
    %add3A_56 = arith.addi %mul3A_2, %add3A_55 : i32
    "tpu.region"() ({
      %run_scoped3A = tpu.sem_alloc : memref<!tpu.dma_semaphore, #tpu.memory_space<semaphore_mem>>
      %dma_start3A = arith.constant 0 : i32
      %dma_start3A_101 = tpu.memref_slice %arg3[%add3A_56, %dma_start3A] : memref<65536x36xf32, #tpu.memory_space<hbm>> -> memref<512x36xf32, #tpu.memory_space<hbm>>
      %dma_start3A_102 = arith.constant 0 : i32
      %dma_start3A_103 = tpu.memref_slice %arg3[%add3A_56, %dma_start3A_102] : memref<65536x36xf32, #tpu.memory_space<hbm>> -> memref<512x36xf32, #tpu.memory_space<hbm>>
      tpu.enqueue_dma source(%dma_start3A_103 : memref<512x36xf32, #tpu.memory_space<hbm>>) target(%arg6 : memref<512x36xf32, #tpu.memory_space<vmem>>) target_semaphore(%run_scoped3A : memref<!tpu.dma_semaphore, #tpu.memory_space<semaphore_mem>>)
      %dma_wait3A = arith.constant 0 : i32
      %dma_wait3A_104 = tpu.memref_slice %arg3[%add3A_56, %dma_wait3A] : memref<65536x36xf32, #tpu.memory_space<hbm>> -> memref<512x36xf32, #tpu.memory_space<hbm>>
      %dma_wait3A_105 = arith.constant 0 : i32
      %dma_wait3A_106 = tpu.memref_slice %arg3[%add3A_56, %dma_wait3A_105] : memref<65536x36xf32, #tpu.memory_space<hbm>> -> memref<512x36xf32, #tpu.memory_space<hbm>>
      tpu.wait_dma2 semaphore(%run_scoped3A : memref<!tpu.dma_semaphore, #tpu.memory_space<semaphore_mem>>) src(%dma_wait3A_106 : memref<512x36xf32, #tpu.memory_space<hbm>>) dst(%arg6 : memref<512x36xf32, #tpu.memory_space<vmem>>)
      tpu.yield
    }) : () -> ()
    %scan3A_57 = arith.constant 0 : i32
    %scan3A_58 = arith.constant 32 : i32
    %scan3A_59 = arith.addi %scan3A_57, %scan3A_58 : i32
    %scan3A_60 = arith.constant 1 : i32
    %scan3A_61:8 = scf.for %scan3A_101 = %scan3A_57 to %scan3A_59 step %scan3A_60 iter_args(%scan3A_102 = %broadcast_in_dim3A_26, %scan3A_103 = %broadcast_in_dim3A_30, %scan3A_104 = %broadcast_in_dim3A_28, %scan3A_105 = %broadcast_in_dim3A_28, %scan3A_106 = %broadcast_in_dim3A_26, %scan3A_107 = %broadcast_in_dim3A_30, %scan3A_108 = %broadcast_in_dim3A_28, %scan3A_109 = %broadcast_in_dim3A_28) -> (vector<16xf32>, vector<16xi32>, vector<16xf32>, vector<16xf32>, vector<16xf32>, vector<16xi32>, vector<16xf32>, vector<16xf32>)  : i32 {
      %mul3A_110 = arith.constant 16 : i32
      %mul3A_111 = arith.muli %scan3A_101, %mul3A_110 : i32
      %add3A_112 = vector.broadcast %mul3A_111 : i32 to vector<16xi32>
      %add3A_113 = arith.addi %iota3A, %add3A_112 : vector<16xi32>
      %gather3A = tpu.vector_load_idx %arg6[%add3A_113, %broadcast_in_dim3A_18] : memref<512x36xf32, #tpu.memory_space<vmem>>[vector<16xi32>, vector<16xi32>], vector<16xf32>,
      %gather3A_114 = tpu.vector_load_idx %arg6[%add3A_113, %broadcast_in_dim3A_20] : memref<512x36xf32, #tpu.memory_space<vmem>>[vector<16xi32>, vector<16xi32>], vector<16xf32>,
      %gather3A_115 = tpu.vector_load_idx %arg6[%add3A_113, %broadcast_in_dim3A_24] : memref<512x36xf32, #tpu.memory_space<vmem>>[vector<16xi32>, vector<16xi32>], vector<16xf32>,
      %mul3A_116 = vector.broadcast %squeeze3A_7 : f32 to vector<16xf32>
      %mul3A_117 = arith.mulf %gather3A, %mul3A_116 : vector<16xf32>
      %mul3A_118 = vector.broadcast %squeeze3A_9 : f32 to vector<16xf32>
      %mul3A_119 = arith.mulf %gather3A_114, %mul3A_118 : vector<16xf32>
      %add3A_120 = arith.addf %mul3A_117, %mul3A_119 : vector<16xf32>
      %mul3A_121 = vector.broadcast %squeeze3A_11 : f32 to vector<16xf32>
      %mul3A_122 = arith.mulf %gather3A, %mul3A_121 : vector<16xf32>
      %mul3A_123 = vector.broadcast %squeeze3A_13 : f32 to vector<16xf32>
      %mul3A_124 = arith.mulf %gather3A_114, %mul3A_123 : vector<16xf32>
      %add3A_125 = arith.addf %mul3A_122, %mul3A_124 : vector<16xf32>
      %gt3A = arith.cmpf ogt, %add3A_120, %scan3A_102 : vector<16xf32>
      %gt3A_126 = arith.cmpf ogt, %add3A_125, %scan3A_106 : vector<16xf32>
      %add3A_127 = arith.constant 0 : i32
      %add3A_128 = vector.broadcast %add3A_127 : i32 to vector<16xi32>
      %add3A_129 = arith.addi %add3A_113, %add3A_128 : vector<16xi32>
      %select_n3A = arith.select %gt3A, %add3A_120, %scan3A_102 : vector<16xi1>, vector<16xf32>
      %select_n3A_130 = arith.select %gt3A, %add3A_129, %scan3A_103 : vector<16xi1>, vector<16xi32>
      %select_n3A_131 = arith.select %gt3A, %gather3A_115, %scan3A_104 : vector<16xi1>, vector<16xf32>
      %select_n3A_132 = arith.select %gt3A, %gather3A, %scan3A_105 : vector<16xi1>, vector<16xf32>
      %select_n3A_133 = arith.select %gt3A_126, %add3A_125, %scan3A_106 : vector<16xi1>, vector<16xf32>
      %select_n3A_134 = arith.select %gt3A_126, %add3A_129, %scan3A_107 : vector<16xi1>, vector<16xi32>
      %select_n3A_135 = arith.select %gt3A_126, %gather3A_115, %scan3A_108 : vector<16xi1>, vector<16xf32>
      %select_n3A_136 = arith.select %gt3A_126, %gather3A, %scan3A_109 : vector<16xi1>, vector<16xf32>
      scf.yield %select_n3A, %select_n3A_130, %select_n3A_131, %select_n3A_132, %select_n3A_133, %select_n3A_134, %select_n3A_135, %select_n3A_136 : vector<16xf32>, vector<16xi32>, vector<16xf32>, vector<16xf32>, vector<16xf32>, vector<16xi32>, vector<16xf32>, vector<16xf32>
    }
    %scan3A_62 = arith.constant 32 : i32
    %swap3A_63 = arith.constant 4 : i32
    %swap3A_64 = arith.index_cast %swap3A_63 : i32 to index
    %swap3A_65 = arith.constant 0 : index
    %swap3A_66 = tpu.vector_load %arg8[%swap3A_64, %swap3A_65] {strides = array<i32>} : memref<12x16xf32, #tpu.memory_space<vmem>>, vector<16xf32>,
    tpu.vector_store %arg8[%swap3A_64, %swap3A_65], %scan3A_61#0 {strides = array<i32>} : memref<12x16xf32, #tpu.memory_space<vmem>>, vector<16xf32>,
    %add3A_67 = vector.broadcast %mul3A_2 : i32 to vector<16xi32>
    %add3A_68 = arith.addi %scan3A_61#1, %add3A_67 : vector<16xi32>
    %convert_element_type3A_69 = arith.sitofp %add3A_68 : vector<16xi32> to vector<16xf32>
    %swap3A_70 = arith.constant 5 : i32
    %swap3A_71 = arith.index_cast %swap3A_70 : i32 to index
    %swap3A_72 = arith.constant 0 : index
    %swap3A_73 = tpu.vector_load %arg8[%swap3A_71, %swap3A_72] {strides = array<i32>} : memref<12x16xf32, #tpu.memory_space<vmem>>, vector<16xf32>,
    tpu.vector_store %arg8[%swap3A_71, %swap3A_72], %convert_element_type3A_69 {strides = array<i32>} : memref<12x16xf32, #tpu.memory_space<vmem>>, vector<16xf32>,
    %swap3A_74 = arith.constant 6 : i32
    %swap3A_75 = arith.index_cast %swap3A_74 : i32 to index
    %swap3A_76 = arith.constant 0 : index
    %swap3A_77 = tpu.vector_load %arg8[%swap3A_75, %swap3A_76] {strides = array<i32>} : memref<12x16xf32, #tpu.memory_space<vmem>>, vector<16xf32>,
    tpu.vector_store %arg8[%swap3A_75, %swap3A_76], %scan3A_61#2 {strides = array<i32>} : memref<12x16xf32, #tpu.memory_space<vmem>>, vector<16xf32>,
    %swap3A_78 = arith.constant 7 : i32
    %swap3A_79 = arith.index_cast %swap3A_78 : i32 to index
    %swap3A_80 = arith.constant 0 : index
    %swap3A_81 = tpu.vector_load %arg8[%swap3A_79, %swap3A_80] {strides = array<i32>} : memref<12x16xf32, #tpu.memory_space<vmem>>, vector<16xf32>,
    tpu.vector_store %arg8[%swap3A_79, %swap3A_80], %scan3A_61#3 {strides = array<i32>} : memref<12x16xf32, #tpu.memory_space<vmem>>, vector<16xf32>,
    %swap3A_82 = arith.constant 8 : i32
    %swap3A_83 = arith.index_cast %swap3A_82 : i32 to index
    %swap3A_84 = arith.constant 0 : index
    %swap3A_85 = tpu.vector_load %arg8[%swap3A_83, %swap3A_84] {strides = array<i32>} : memref<12x16xf32, #tpu.memory_space<vmem>>, vector<16xf32>,
    tpu.vector_store %arg8[%swap3A_83, %swap3A_84], %scan3A_61#4 {strides = array<i32>} : memref<12x16xf32, #tpu.memory_space<vmem>>, vector<16xf32>,
    %add3A_86 = vector.broadcast %mul3A_2 : i32 to vector<16xi32>
    %add3A_87 = arith.addi %scan3A_61#5, %add3A_86 : vector<16xi32>
    %convert_element_type3A_88 = arith.sitofp %add3A_87 : vector<16xi32> to vector<16xf32>
    %swap3A_89 = arith.constant 9 : i32
    %swap3A_90 = arith.index_cast %swap3A_89 : i32 to index
    %swap3A_91 = arith.constant 0 : index
    %swap3A_92 = tpu.vector_load %arg8[%swap3A_90, %swap3A_91] {strides = array<i32>} : memref<12x16xf32, #tpu.memory_space<vmem>>, vector<16xf32>,
    tpu.vector_store %arg8[%swap3A_90, %swap3A_91], %convert_element_type3A_88 {strides = array<i32>} : memref<12x16xf32, #tpu.memory_space<vmem>>, vector<16xf32>,
    %swap3A_93 = arith.constant 10 : i32
    %swap3A_94 = arith.index_cast %swap3A_93 : i32 to index
    %swap3A_95 = arith.constant 0 : index
    %swap3A_96 = tpu.vector_load %arg8[%swap3A_94, %swap3A_95] {strides = array<i32>} : memref<12x16xf32, #tpu.memory_space<vmem>>, vector<16xf32>,
    tpu.vector_store %arg8[%swap3A_94, %swap3A_95], %scan3A_61#6 {strides = array<i32>} : memref<12x16xf32, #tpu.memory_space<vmem>>, vector<16xf32>,
    %swap3A_97 = arith.constant 11 : i32
    %swap3A_98 = arith.index_cast %swap3A_97 : i32 to index
    %swap3A_99 = arith.constant 0 : index
    %swap3A_100 = tpu.vector_load %arg8[%swap3A_98, %swap3A_99] {strides = array<i32>} : memref<12x16xf32, #tpu.memory_space<vmem>>, vector<16xf32>,
    tpu.vector_store %arg8[%swap3A_98, %swap3A_99], %scan3A_61#7 {strides = array<i32>} : memref<12x16xf32, #tpu.memory_space<vmem>>, vector<16xf32>,
    "tpu.region"() ({
      %run_scoped3A = tpu.sem_alloc : memref<!tpu.dma_semaphore, #tpu.memory_space<semaphore_mem>>
      %dma_start3A = arith.constant 0 : i32
      %dma_start3A_101 = arith.constant 0 : i32
      %dma_start3A_102 = tpu.memref_slice %arg5[%add3A, %dma_start3A, %dma_start3A_101] : memref<32x12x16xf32, #tpu.memory_space<hbm>> -> memref<1x12x16xf32, #tpu.memory_space<hbm>>
      %dma_start3A_103 = tpu.memref_squeeze %dma_start3A_102 : memref<1x12x16xf32, #tpu.memory_space<hbm>> -> memref<12x16xf32, #tpu.memory_space<hbm>>
      %dma_start3A_104 = arith.constant 0 : i32
      %dma_start3A_105 = arith.constant 0 : i32
      %dma_start3A_106 = tpu.memref_slice %arg5[%add3A, %dma_start3A_104, %dma_start3A_105] : memref<32x12x16xf32, #tpu.memory_space<hbm>> -> memref<1x12x16xf32, #tpu.memory_space<hbm>>
      %dma_start3A_107 = tpu.memref_squeeze %dma_start3A_106 : memref<1x12x16xf32, #tpu.memory_space<hbm>> -> memref<12x16xf32, #tpu.memory_space<hbm>>
      tpu.enqueue_dma source(%arg8 : memref<12x16xf32, #tpu.memory_space<vmem>>) target(%dma_start3A_107 : memref<12x16xf32, #tpu.memory_space<hbm>>) target_semaphore(%run_scoped3A : memref<!tpu.dma_semaphore, #tpu.memory_space<semaphore_mem>>)
      %dma_wait3A = arith.constant 0 : i32
      %dma_wait3A_108 = arith.constant 0 : i32
      %dma_wait3A_109 = tpu.memref_slice %arg5[%add3A, %dma_wait3A, %dma_wait3A_108] : memref<32x12x16xf32, #tpu.memory_space<hbm>> -> memref<1x12x16xf32, #tpu.memory_space<hbm>>
      %dma_wait3A_110 = tpu.memref_squeeze %dma_wait3A_109 : memref<1x12x16xf32, #tpu.memory_space<hbm>> -> memref<12x16xf32, #tpu.memory_space<hbm>>
      %dma_wait3A_111 = arith.constant 0 : i32
      %dma_wait3A_112 = arith.constant 0 : i32
      %dma_wait3A_113 = tpu.memref_slice %arg5[%add3A, %dma_wait3A_111, %dma_wait3A_112] : memref<32x12x16xf32, #tpu.memory_space<hbm>> -> memref<1x12x16xf32, #tpu.memory_space<hbm>>
      %dma_wait3A_114 = tpu.memref_squeeze %dma_wait3A_113 : memref<1x12x16xf32, #tpu.memory_space<hbm>> -> memref<12x16xf32, #tpu.memory_space<hbm>>
      tpu.wait_dma2 semaphore(%run_scoped3A : memref<!tpu.dma_semaphore, #tpu.memory_space<semaphore_mem>>) src(%arg8 : memref<12x16xf32, #tpu.memory_space<vmem>>) dst(%dma_wait3A_114 : memref<12x16xf32, #tpu.memory_space<hbm>>)
      tpu.yield
    }) : () -> ()
    return
  }
}

module attributes {stable_mosaic.version = 14 : i64} {
  func.func @body(%arg0: memref<32x192xf32, #tpu.memory_space<vmem>>, %arg1: memref<1x36xf32, #tpu.memory_space<vmem>>, %arg2: memref<9x3xf32, #tpu.memory_space<vmem>>, %arg3: memref<1x9xf32, #tpu.memory_space<vmem>>, %arg4: memref<1x16xf32, #tpu.memory_space<vmem>>) attributes {dimension_semantics = [], scalar_prefetch = 0 : i64, scratch_operands = 0 : i64, tpu.core_type = #tpu.core_type<tc>} {
    %get3A = arith.constant 0 : index
    %get3A_0 = arith.constant 0 : index
    %get3A_1 = vector.load %arg0[%get3A, %get3A_0] : memref<32x192xf32, #tpu.memory_space<vmem>>, vector<32x192xf32>
    %get3A_2 = arith.constant 0 : index
    %get3A_3 = arith.constant 0 : index
    %get3A_4 = vector.load %arg1[%get3A_2, %get3A_3] : memref<1x36xf32, #tpu.memory_space<vmem>>, vector<1x36xf32>
    %iota3A = tpu.iota {dimensions = array<i32: 1>} : vector<1x36xi32>
    %eq3A = arith.constant 10 : i32
    %eq3A_5 = vector.broadcast %eq3A : i32 to vector<1x36xi32>
    %eq3A_6 = arith.cmpi eq, %iota3A, %eq3A_5 : vector<1x36xi32>
    %jit3A = arith.constant 0.000000e+00 : f32
    %broadcast_in_dim3A = vector.broadcast %jit3A : f32 to vector<1x36xf32>
    %select_n3A = arith.select %eq3A_6, %get3A_4, %broadcast_in_dim3A : vector<1x36xi1>, vector<1x36xf32>
    %reduce_sum3A = vector.shape_cast %select_n3A : vector<1x36xf32> to vector<1x1x36xf32>
    %reduce_sum3A_7 = arith.constant dense<0.000000e+00> : vector<1xf32>
    %reduce_sum3A_8 = vector.multi_reduction <add>, %reduce_sum3A, %reduce_sum3A_7 [1, 2] : vector<1x1x36xf32> to vector<1xf32>
    %reduce_sum3A_9 = vector.shape_cast %reduce_sum3A_8 : vector<1xf32> to vector<1x1x1xf32>
    %reduce_sum3A_10 = vector.extract %reduce_sum3A_9[0, 0, 0] : f32 from vector<1x1x1xf32>
    %slice3A = vector.extract_strided_slice %get3A_1 {offsets = [0, 0], sizes = [32, 16], strides = [1, 1]} : vector<32x192xf32> to vector<32x16xf32>
    %slice3A_11 = vector.extract_strided_slice %get3A_1 {offsets = [0, 16], sizes = [32, 16], strides = [1, 1]} : vector<32x192xf32> to vector<32x16xf32>
    %reduce_max3A = vector.shape_cast %slice3A : vector<32x16xf32> to vector<1x32x16xf32>
    %reduce_max3A_12 = arith.constant dense<0xFF800000> : vector<1xf32>
    %reduce_max3A_13 = vector.multi_reduction <maximumf>, %reduce_max3A, %reduce_max3A_12 [1, 2] : vector<1x32x16xf32> to vector<1xf32>
    %reduce_max3A_14 = vector.shape_cast %reduce_max3A_13 : vector<1xf32> to vector<1x1x1xf32>
    %reduce_max3A_15 = vector.extract %reduce_max3A_14[0, 0, 0] : f32 from vector<1x1x1xf32>
    %eq3A_16 = vector.broadcast %reduce_max3A_15 : f32 to vector<32x16xf32>
    %eq3A_17 = arith.cmpf oeq, %slice3A, %eq3A_16 : vector<32x16xf32>
    %jit3A_18 = arith.constant 3.400000e+38 : f32
    %broadcast_in_dim3A_19 = vector.broadcast %jit3A_18 : f32 to vector<32x16xf32>
    %select_n3A_20 = arith.select %eq3A_17, %slice3A_11, %broadcast_in_dim3A_19 : vector<32x16xi1>, vector<32x16xf32>
    %reduce_min3A = vector.shape_cast %select_n3A_20 : vector<32x16xf32> to vector<1x32x16xf32>
    %reduce_min3A_21 = arith.constant dense<0x7F800000> : vector<1xf32>
    %reduce_min3A_22 = vector.multi_reduction <minimumf>, %reduce_min3A, %reduce_min3A_21 [1, 2] : vector<1x32x16xf32> to vector<1xf32>
    %reduce_min3A_23 = vector.shape_cast %reduce_min3A_22 : vector<1xf32> to vector<1x1x1xf32>
    %reduce_min3A_24 = vector.extract %reduce_min3A_23[0, 0, 0] : f32 from vector<1x1x1xf32>
    %eq3A_25 = vector.broadcast %reduce_min3A_24 : f32 to vector<32x16xf32>
    %eq3A_26 = arith.cmpf oeq, %slice3A_11, %eq3A_25 : vector<32x16xf32>
    %and3A = arith.andi %eq3A_17, %eq3A_26 : vector<32x16xi1>
    %slice3A_27 = vector.extract_strided_slice %get3A_1 {offsets = [0, 32], sizes = [32, 16], strides = [1, 1]} : vector<32x192xf32> to vector<32x16xf32>
    %jit3A_28 = arith.constant 0.000000e+00 : f32
    %broadcast_in_dim3A_29 = vector.broadcast %jit3A_28 : f32 to vector<32x16xf32>
    %select_n3A_30 = arith.select %and3A, %slice3A_27, %broadcast_in_dim3A_29 : vector<32x16xi1>, vector<32x16xf32>
    %reduce_sum3A_31 = vector.shape_cast %select_n3A_30 : vector<32x16xf32> to vector<1x32x16xf32>
    %reduce_sum3A_32 = arith.constant dense<0.000000e+00> : vector<1xf32>
    %reduce_sum3A_33 = vector.multi_reduction <add>, %reduce_sum3A_31, %reduce_sum3A_32 [1, 2] : vector<1x32x16xf32> to vector<1xf32>
    %reduce_sum3A_34 = vector.shape_cast %reduce_sum3A_33 : vector<1xf32> to vector<1x1x1xf32>
    %reduce_sum3A_35 = vector.extract %reduce_sum3A_34[0, 0, 0] : f32 from vector<1x1x1xf32>
    %slice3A_36 = vector.extract_strided_slice %get3A_1 {offsets = [0, 48], sizes = [32, 16], strides = [1, 1]} : vector<32x192xf32> to vector<32x16xf32>
    %jit3A_37 = arith.constant 0.000000e+00 : f32
    %broadcast_in_dim3A_38 = vector.broadcast %jit3A_37 : f32 to vector<32x16xf32>
    %select_n3A_39 = arith.select %and3A, %slice3A_36, %broadcast_in_dim3A_38 : vector<32x16xi1>, vector<32x16xf32>
    %reduce_sum3A_40 = vector.shape_cast %select_n3A_39 : vector<32x16xf32> to vector<1x32x16xf32>
    %reduce_sum3A_41 = arith.constant dense<0.000000e+00> : vector<1xf32>
    %reduce_sum3A_42 = vector.multi_reduction <add>, %reduce_sum3A_40, %reduce_sum3A_41 [1, 2] : vector<1x32x16xf32> to vector<1xf32>
    %reduce_sum3A_43 = vector.shape_cast %reduce_sum3A_42 : vector<1xf32> to vector<1x1x1xf32>
    %reduce_sum3A_44 = vector.extract %reduce_sum3A_43[0, 0, 0] : f32 from vector<1x1x1xf32>
    %slice3A_45 = vector.extract_strided_slice %get3A_1 {offsets = [0, 64], sizes = [32, 16], strides = [1, 1]} : vector<32x192xf32> to vector<32x16xf32>
    %slice3A_46 = vector.extract_strided_slice %get3A_1 {offsets = [0, 80], sizes = [32, 16], strides = [1, 1]} : vector<32x192xf32> to vector<32x16xf32>
    %reduce_max3A_47 = vector.shape_cast %slice3A_45 : vector<32x16xf32> to vector<1x32x16xf32>
    %reduce_max3A_48 = arith.constant dense<0xFF800000> : vector<1xf32>
    %reduce_max3A_49 = vector.multi_reduction <maximumf>, %reduce_max3A_47, %reduce_max3A_48 [1, 2] : vector<1x32x16xf32> to vector<1xf32>
    %reduce_max3A_50 = vector.shape_cast %reduce_max3A_49 : vector<1xf32> to vector<1x1x1xf32>
    %reduce_max3A_51 = vector.extract %reduce_max3A_50[0, 0, 0] : f32 from vector<1x1x1xf32>
    %eq3A_52 = vector.broadcast %reduce_max3A_51 : f32 to vector<32x16xf32>
    %eq3A_53 = arith.cmpf oeq, %slice3A_45, %eq3A_52 : vector<32x16xf32>
    %jit3A_54 = arith.constant 3.400000e+38 : f32
    %broadcast_in_dim3A_55 = vector.broadcast %jit3A_54 : f32 to vector<32x16xf32>
    %select_n3A_56 = arith.select %eq3A_53, %slice3A_46, %broadcast_in_dim3A_55 : vector<32x16xi1>, vector<32x16xf32>
    %reduce_min3A_57 = vector.shape_cast %select_n3A_56 : vector<32x16xf32> to vector<1x32x16xf32>
    %reduce_min3A_58 = arith.constant dense<0x7F800000> : vector<1xf32>
    %reduce_min3A_59 = vector.multi_reduction <minimumf>, %reduce_min3A_57, %reduce_min3A_58 [1, 2] : vector<1x32x16xf32> to vector<1xf32>
    %reduce_min3A_60 = vector.shape_cast %reduce_min3A_59 : vector<1xf32> to vector<1x1x1xf32>
    %reduce_min3A_61 = vector.extract %reduce_min3A_60[0, 0, 0] : f32 from vector<1x1x1xf32>
    %eq3A_62 = vector.broadcast %reduce_min3A_61 : f32 to vector<32x16xf32>
    %eq3A_63 = arith.cmpf oeq, %slice3A_46, %eq3A_62 : vector<32x16xf32>
    %and3A_64 = arith.andi %eq3A_53, %eq3A_63 : vector<32x16xi1>
    %slice3A_65 = vector.extract_strided_slice %get3A_1 {offsets = [0, 96], sizes = [32, 16], strides = [1, 1]} : vector<32x192xf32> to vector<32x16xf32>
    %jit3A_66 = arith.constant 0.000000e+00 : f32
    %broadcast_in_dim3A_67 = vector.broadcast %jit3A_66 : f32 to vector<32x16xf32>
    %select_n3A_68 = arith.select %and3A_64, %slice3A_65, %broadcast_in_dim3A_67 : vector<32x16xi1>, vector<32x16xf32>
    %reduce_sum3A_69 = vector.shape_cast %select_n3A_68 : vector<32x16xf32> to vector<1x32x16xf32>
    %reduce_sum3A_70 = arith.constant dense<0.000000e+00> : vector<1xf32>
    %reduce_sum3A_71 = vector.multi_reduction <add>, %reduce_sum3A_69, %reduce_sum3A_70 [1, 2] : vector<1x32x16xf32> to vector<1xf32>
    %reduce_sum3A_72 = vector.shape_cast %reduce_sum3A_71 : vector<1xf32> to vector<1x1x1xf32>
    %reduce_sum3A_73 = vector.extract %reduce_sum3A_72[0, 0, 0] : f32 from vector<1x1x1xf32>
    %slice3A_74 = vector.extract_strided_slice %get3A_1 {offsets = [0, 112], sizes = [32, 16], strides = [1, 1]} : vector<32x192xf32> to vector<32x16xf32>
    %jit3A_75 = arith.constant 0.000000e+00 : f32
    %broadcast_in_dim3A_76 = vector.broadcast %jit3A_75 : f32 to vector<32x16xf32>
    %select_n3A_77 = arith.select %and3A_64, %slice3A_74, %broadcast_in_dim3A_76 : vector<32x16xi1>, vector<32x16xf32>
    %reduce_sum3A_78 = vector.shape_cast %select_n3A_77 : vector<32x16xf32> to vector<1x32x16xf32>
    %reduce_sum3A_79 = arith.constant dense<0.000000e+00> : vector<1xf32>
    %reduce_sum3A_80 = vector.multi_reduction <add>, %reduce_sum3A_78, %reduce_sum3A_79 [1, 2] : vector<1x32x16xf32> to vector<1xf32>
    %reduce_sum3A_81 = vector.shape_cast %reduce_sum3A_80 : vector<1xf32> to vector<1x1x1xf32>
    %reduce_sum3A_82 = vector.extract %reduce_sum3A_81[0, 0, 0] : f32 from vector<1x1x1xf32>
    %slice3A_83 = vector.extract_strided_slice %get3A_1 {offsets = [0, 128], sizes = [32, 16], strides = [1, 1]} : vector<32x192xf32> to vector<32x16xf32>
    %slice3A_84 = vector.extract_strided_slice %get3A_1 {offsets = [0, 144], sizes = [32, 16], strides = [1, 1]} : vector<32x192xf32> to vector<32x16xf32>
    %reduce_max3A_85 = vector.shape_cast %slice3A_83 : vector<32x16xf32> to vector<1x32x16xf32>
    %reduce_max3A_86 = arith.constant dense<0xFF800000> : vector<1xf32>
    %reduce_max3A_87 = vector.multi_reduction <maximumf>, %reduce_max3A_85, %reduce_max3A_86 [1, 2] : vector<1x32x16xf32> to vector<1xf32>
    %reduce_max3A_88 = vector.shape_cast %reduce_max3A_87 : vector<1xf32> to vector<1x1x1xf32>
    %reduce_max3A_89 = vector.extract %reduce_max3A_88[0, 0, 0] : f32 from vector<1x1x1xf32>
    %eq3A_90 = vector.broadcast %reduce_max3A_89 : f32 to vector<32x16xf32>
    %eq3A_91 = arith.cmpf oeq, %slice3A_83, %eq3A_90 : vector<32x16xf32>
    %jit3A_92 = arith.constant 3.400000e+38 : f32
    %broadcast_in_dim3A_93 = vector.broadcast %jit3A_92 : f32 to vector<32x16xf32>
    %select_n3A_94 = arith.select %eq3A_91, %slice3A_84, %broadcast_in_dim3A_93 : vector<32x16xi1>, vector<32x16xf32>
    %reduce_min3A_95 = vector.shape_cast %select_n3A_94 : vector<32x16xf32> to vector<1x32x16xf32>
    %reduce_min3A_96 = arith.constant dense<0x7F800000> : vector<1xf32>
    %reduce_min3A_97 = vector.multi_reduction <minimumf>, %reduce_min3A_95, %reduce_min3A_96 [1, 2] : vector<1x32x16xf32> to vector<1xf32>
    %reduce_min3A_98 = vector.shape_cast %reduce_min3A_97 : vector<1xf32> to vector<1x1x1xf32>
    %reduce_min3A_99 = vector.extract %reduce_min3A_98[0, 0, 0] : f32 from vector<1x1x1xf32>
    %eq3A_100 = vector.broadcast %reduce_min3A_99 : f32 to vector<32x16xf32>
    %eq3A_101 = arith.cmpf oeq, %slice3A_84, %eq3A_100 : vector<32x16xf32>
    %and3A_102 = arith.andi %eq3A_91, %eq3A_101 : vector<32x16xi1>
    %slice3A_103 = vector.extract_strided_slice %get3A_1 {offsets = [0, 160], sizes = [32, 16], strides = [1, 1]} : vector<32x192xf32> to vector<32x16xf32>
    %jit3A_104 = arith.constant 0.000000e+00 : f32
    %broadcast_in_dim3A_105 = vector.broadcast %jit3A_104 : f32 to vector<32x16xf32>
    %select_n3A_106 = arith.select %and3A_102, %slice3A_103, %broadcast_in_dim3A_105 : vector<32x16xi1>, vector<32x16xf32>
    %reduce_sum3A_107 = vector.shape_cast %select_n3A_106 : vector<32x16xf32> to vector<1x32x16xf32>
    %reduce_sum3A_108 = arith.constant dense<0.000000e+00> : vector<1xf32>
    %reduce_sum3A_109 = vector.multi_reduction <add>, %reduce_sum3A_107, %reduce_sum3A_108 [1, 2] : vector<1x32x16xf32> to vector<1xf32>
    %reduce_sum3A_110 = vector.shape_cast %reduce_sum3A_109 : vector<1xf32> to vector<1x1x1xf32>
    %reduce_sum3A_111 = vector.extract %reduce_sum3A_110[0, 0, 0] : f32 from vector<1x1x1xf32>
    %slice3A_112 = vector.extract_strided_slice %get3A_1 {offsets = [0, 176], sizes = [32, 16], strides = [1, 1]} : vector<32x192xf32> to vector<32x16xf32>
    %jit3A_113 = arith.constant 0.000000e+00 : f32
    %broadcast_in_dim3A_114 = vector.broadcast %jit3A_113 : f32 to vector<32x16xf32>
    %select_n3A_115 = arith.select %and3A_102, %slice3A_112, %broadcast_in_dim3A_114 : vector<32x16xi1>, vector<32x16xf32>
    %reduce_sum3A_116 = vector.shape_cast %select_n3A_115 : vector<32x16xf32> to vector<1x32x16xf32>
    %reduce_sum3A_117 = arith.constant dense<0.000000e+00> : vector<1xf32>
    %reduce_sum3A_118 = vector.multi_reduction <add>, %reduce_sum3A_116, %reduce_sum3A_117 [1, 2] : vector<1x32x16xf32> to vector<1xf32>
    %reduce_sum3A_119 = vector.shape_cast %reduce_sum3A_118 : vector<1xf32> to vector<1x1x1xf32>
    %reduce_sum3A_120 = vector.extract %reduce_sum3A_119[0, 0, 0] : f32 from vector<1x1x1xf32>
    %round3A = math.roundeven %reduce_sum3A_35 : f32
    %round3A_121 = math.roundeven %reduce_sum3A_44 : f32
    %round3A_122 = math.roundeven %reduce_sum3A_10 : f32
    %mul3A = arith.constant 5.000000e-01 : f32
    %mul3A_123 = arith.mulf %reduce_sum3A_82, %mul3A : f32
    %round3A_124 = math.roundeven %mul3A_123 : f32
    %eq3A_125 = arith.cmpf oeq, %round3A_124, %round3A_122 : f32
    %jit3A_126 = arith.constant 0.000000e+00 : f32
    %select_n3A_127 = arith.select %eq3A_125, %reduce_sum3A_73, %jit3A_126 : f32
    %mul3A_128 = arith.constant 5.000000e-01 : f32
    %mul3A_129 = arith.mulf %reduce_sum3A_120, %mul3A_128 : f32
    %round3A_130 = math.roundeven %mul3A_129 : f32
    %sub3A = arith.constant 1.000000e+00 : f32
    %sub3A_131 = arith.subf %round3A_122, %sub3A : f32
    %eq3A_132 = arith.cmpf oeq, %round3A_130, %sub3A_131 : f32
    %jit3A_133 = arith.constant 0.000000e+00 : f32
    %select_n3A_134 = arith.select %eq3A_132, %reduce_sum3A_111, %jit3A_133 : f32
    %ge3A = arith.constant 1.000000e+00 : f32
    %ge3A_135 = arith.cmpf oge, %round3A, %ge3A : f32
    %le3A = arith.constant 9.000000e+00 : f32
    %le3A_136 = arith.cmpf ole, %round3A, %le3A : f32
    %and3A_137 = arith.andi %ge3A_135, %le3A_136 : i1
    %sub3A_138 = arith.constant 1.000000e+00 : f32
    %sub3A_139 = arith.subf %round3A, %sub3A_138 : f32
    %jit3A_140 = arith.constant 0.000000e+00 : f32
    %jit3A_141 = arith.constant 8.000000e+00 : f32
    %max3A = arith.maximumf %jit3A_140, %sub3A_139 : f32
    %min3A = arith.minimumf %jit3A_141, %max3A : f32
    %convert_element_type3A = arith.fptosi %min3A : f32 to i32
    %iota3A_142 = tpu.iota {dimensions = array<i32: 0>} : vector<9x3xi32>
    %iota3A_143 = tpu.iota {dimensions = array<i32: 1>} : vector<9x3xi32>
    %eq3A_144 = arith.constant 0 : i32
    %eq3A_145 = vector.broadcast %eq3A_144 : i32 to vector<9x3xi32>
    %eq3A_146 = arith.cmpi eq, %iota3A_143, %eq3A_145 : vector<9x3xi32>
    %eq3A_147 = arith.constant 1 : i32
    %eq3A_148 = vector.broadcast %eq3A_147 : i32 to vector<9x3xi32>
    %eq3A_149 = arith.cmpi eq, %iota3A_143, %eq3A_148 : vector<9x3xi32>
    %broadcast_in_dim3A_150 = vector.broadcast %select_n3A_127 : f32 to vector<9x3xf32>
    %broadcast_in_dim3A_151 = vector.broadcast %select_n3A_134 : f32 to vector<9x3xf32>
    %select_n3A_152 = arith.select %eq3A_149, %broadcast_in_dim3A_150, %broadcast_in_dim3A_151 : vector<9x3xi1>, vector<9x3xf32>
    %broadcast_in_dim3A_153 = vector.broadcast %round3A_121 : f32 to vector<9x3xf32>
    %select_n3A_154 = arith.select %eq3A_146, %broadcast_in_dim3A_153, %select_n3A_152 : vector<9x3xi1>, vector<9x3xf32>
    %eq3A_155 = vector.broadcast %convert_element_type3A : i32 to vector<9x3xi32>
    %eq3A_156 = arith.cmpi eq, %iota3A_142, %eq3A_155 : vector<9x3xi32>
    %get3A_157 = arith.constant 0 : index
    %get3A_158 = arith.constant 0 : index
    %get3A_159 = vector.load %arg2[%get3A_157, %get3A_158] : memref<9x3xf32, #tpu.memory_space<vmem>>, vector<9x3xf32>
    %mul3A_160 = arith.mulf %get3A_159, %select_n3A_154 : vector<9x3xf32>
    %jit3A_161 = arith.constant 0.000000e+00 : f32
    %broadcast_in_dim3A_162 = vector.broadcast %jit3A_161 : f32 to vector<9x3xf32>
    %select_n3A_163 = arith.select %eq3A_156, %mul3A_160, %broadcast_in_dim3A_162 : vector<9x3xi1>, vector<9x3xf32>
    %reduce_sum3A_164 = vector.shape_cast %select_n3A_163 : vector<9x3xf32> to vector<1x9x3xf32>
    %reduce_sum3A_165 = arith.constant dense<0.000000e+00> : vector<1xf32>
    %reduce_sum3A_166 = vector.multi_reduction <add>, %reduce_sum3A_164, %reduce_sum3A_165 [1, 2] : vector<1x9x3xf32> to vector<1xf32>
    %reduce_sum3A_167 = vector.shape_cast %reduce_sum3A_166 : vector<1xf32> to vector<1x1x1xf32>
    %reduce_sum3A_168 = vector.extract %reduce_sum3A_167[0, 0, 0] : f32 from vector<1x1x1xf32>
    %jit3A_169 = arith.constant 0.000000e+00 : f32
    %select_n3A_170 = arith.select %and3A_137, %reduce_sum3A_168, %jit3A_169 : f32
    %iota3A_171 = tpu.iota {dimensions = array<i32: 1>} : vector<1x9xi32>
    %eq3A_172 = vector.broadcast %convert_element_type3A : i32 to vector<1x9xi32>
    %eq3A_173 = arith.cmpi eq, %iota3A_171, %eq3A_172 : vector<1x9xi32>
    %get3A_174 = arith.constant 0 : index
    %get3A_175 = arith.constant 0 : index
    %get3A_176 = vector.load %arg3[%get3A_174, %get3A_175] : memref<1x9xf32, #tpu.memory_space<vmem>>, vector<1x9xf32>
    %jit3A_177 = arith.constant 0.000000e+00 : f32
    %broadcast_in_dim3A_178 = vector.broadcast %jit3A_177 : f32 to vector<1x9xf32>
    %select_n3A_179 = arith.select %eq3A_173, %get3A_176, %broadcast_in_dim3A_178 : vector<1x9xi1>, vector<1x9xf32>
    %reduce_sum3A_180 = vector.shape_cast %select_n3A_179 : vector<1x9xf32> to vector<1x1x9xf32>
    %reduce_sum3A_181 = arith.constant dense<0.000000e+00> : vector<1xf32>
    %reduce_sum3A_182 = vector.multi_reduction <add>, %reduce_sum3A_180, %reduce_sum3A_181 [1, 2] : vector<1x1x9xf32> to vector<1xf32>
    %reduce_sum3A_183 = vector.shape_cast %reduce_sum3A_182 : vector<1xf32> to vector<1x1x1xf32>
    %reduce_sum3A_184 = vector.extract %reduce_sum3A_183[0, 0, 0] : f32 from vector<1x1x1xf32>
    %jit3A_185 = arith.constant 0.000000e+00 : f32
    %select_n3A_186 = arith.select %and3A_137, %reduce_sum3A_184, %jit3A_185 : f32
    %iota3A_187 = tpu.iota {dimensions = array<i32: 1>} : vector<1x16xi32>
    %eq3A_188 = arith.constant 0 : i32
    %eq3A_189 = vector.broadcast %eq3A_188 : i32 to vector<1x16xi32>
    %eq3A_190 = arith.cmpi eq, %iota3A_187, %eq3A_189 : vector<1x16xi32>
    %jit3A_191 = arith.constant 0.000000e+00 : f32
    %broadcast_in_dim3A_192 = vector.broadcast %round3A : f32 to vector<1x16xf32>
    %broadcast_in_dim3A_193 = vector.broadcast %jit3A_191 : f32 to vector<1x16xf32>
    %select_n3A_194 = arith.select %eq3A_190, %broadcast_in_dim3A_192, %broadcast_in_dim3A_193 : vector<1x16xi1>, vector<1x16xf32>
    %eq3A_195 = arith.constant 1 : i32
    %eq3A_196 = vector.broadcast %eq3A_195 : i32 to vector<1x16xi32>
    %eq3A_197 = arith.cmpi eq, %iota3A_187, %eq3A_196 : vector<1x16xi32>
    %broadcast_in_dim3A_198 = vector.broadcast %round3A_121 : f32 to vector<1x16xf32>
    %select_n3A_199 = arith.select %eq3A_197, %broadcast_in_dim3A_198, %select_n3A_194 : vector<1x16xi1>, vector<1x16xf32>
    %eq3A_200 = arith.constant 2 : i32
    %eq3A_201 = vector.broadcast %eq3A_200 : i32 to vector<1x16xi32>
    %eq3A_202 = arith.cmpi eq, %iota3A_187, %eq3A_201 : vector<1x16xi32>
    %broadcast_in_dim3A_203 = vector.broadcast %select_n3A_186 : f32 to vector<1x16xf32>
    %select_n3A_204 = arith.select %eq3A_202, %broadcast_in_dim3A_203, %select_n3A_199 : vector<1x16xi1>, vector<1x16xf32>
    %eq3A_205 = arith.constant 3 : i32
    %eq3A_206 = vector.broadcast %eq3A_205 : i32 to vector<1x16xi32>
    %eq3A_207 = arith.cmpi eq, %iota3A_187, %eq3A_206 : vector<1x16xi32>
    %broadcast_in_dim3A_208 = vector.broadcast %select_n3A_170 : f32 to vector<1x16xf32>
    %select_n3A_209 = arith.select %eq3A_207, %broadcast_in_dim3A_208, %select_n3A_204 : vector<1x16xi1>, vector<1x16xf32>
    %ge3A_210 = arith.constant 4 : i32
    %ge3A_211 = vector.broadcast %ge3A_210 : i32 to vector<1x16xi32>
    %ge3A_212 = arith.cmpi sge, %iota3A_187, %ge3A_211 : vector<1x16xi32>
    %and3A_213 = vector.broadcast %and3A_137 : i1 to vector<1x16xi1>
    %and3A_214 = arith.andi %and3A_213, %ge3A_212 : vector<1x16xi1>
    %le3A_215 = arith.constant 12 : i32
    %le3A_216 = vector.broadcast %le3A_215 : i32 to vector<1x16xi32>
    %le3A_217 = arith.cmpi sle, %iota3A_187, %le3A_216 : vector<1x16xi32>
    %and3A_218 = arith.andi %and3A_214, %le3A_217 : vector<1x16xi1>
    %sub3A_219 = arith.constant 4 : i32
    %sub3A_220 = vector.broadcast %sub3A_219 : i32 to vector<1x16xi32>
    %sub3A_221 = arith.subi %iota3A_187, %sub3A_220 : vector<1x16xi32>
    %eq3A_222 = vector.broadcast %convert_element_type3A : i32 to vector<1x16xi32>
    %eq3A_223 = arith.cmpi eq, %sub3A_221, %eq3A_222 : vector<1x16xi32>
    %and3A_224 = arith.andi %and3A_218, %eq3A_223 : vector<1x16xi1>
    %jit3A_225 = arith.constant 1.000000e+00 : f32
    %broadcast_in_dim3A_226 = vector.broadcast %jit3A_225 : f32 to vector<1x16xf32>
    %select_n3A_227 = arith.select %and3A_224, %broadcast_in_dim3A_226, %select_n3A_209 : vector<1x16xi1>, vector<1x16xf32>
    %swap3A = arith.constant 0 : index
    %swap3A_228 = arith.constant 0 : index
    %swap3A_229 = vector.load %arg4[%swap3A, %swap3A_228] : memref<1x16xf32, #tpu.memory_space<vmem>>, vector<1x16xf32>
    tpu.vector_store %arg4[%swap3A, %swap3A_228], %select_n3A_227 {strides = array<i32>} : memref<1x16xf32, #tpu.memory_space<vmem>>, vector<1x16xf32>,
    return
  }
}

</mosaic_0001>

<sc_bundles>
// kernel: kernel.4.cloned.1.call-start
scs
__scs_entry_jumppad:
0x0: {  	(pc) =	sbr.rel $0x88, $3  }
0x1: {  	(tag) =	ssettag $0x0;
	lr =	simm.s32 $0x1  }
0x2: {  	[smem:$0x3F98] =	sst lr;
	_ =	strace $0xD0000000  }
0x3: {  	_ = 	snop  }
0x4: {  	_ = 	snop  }
0x5: {  	_ = 	snop  }
0x6: {  	_ = 	snop  }
0x7: {  	_ = 	snop  }
__scs_overlays_trampoline_lowered:
0x8: {  	[smem:$0x3FA7] =	sst s0  }
0x9: {  	[smem:$0x3FA8] =	sst s1  }
0xa: {  	[smem:$0x3FA9] =	sst s2  }
0xb: {  	[smem:$0x3FAA] =	sst s3  }
0xc: {  	[smem:$0x3FAB] =	sst s4  }
0xd: {  	[smem:$0x3FAC] =	sst s5  }
0xe: {  	[smem:$0x3FAD] =	sst s6  }
0xf: {  	[smem:$0x3FAE] =	sst s7  }
0x10: {  	[smem:$0x3FAF] =	sst s8  }
0x11: {  	[smem:$0x3FB0] =	sst s9;
	s0 =	simm.s32 @!p0 $0x0  }
0x12: {  	s1 =	sld [smem:$0x3F96];
	s0 =	simm.s32 @p0 $0x1  }
0x13: {  	[smem:$0x3FB1] =	sst s0;
	s0 =	simm.s32 @!p1 $0x0  }
0x14: {  	s2 =	sld [smem:$0x3F95];
	s0 =	simm.s32 @p1 $0x1  }
0x15: {  	[smem:$0x3FB2] =	sst s0;
	s0 =	simm.s32 @!p2 $0x0  }
0x16: {  	s3 =	sld [smem:$0x3FDB];
	s0 =	simm.s32 @p2 $0x1  }
0x17: {  	s4 =	simm.s32 $0x1BF5;
	[smem:$0x3FB4] =	sst s0  }
0x18: {  	s0 =	sld [smem:$0x3F97];
	_ =	swait.ge [sflag:s4], $0x0  }
0x19: {  	s7 =	sld [smem:$0x3F98]  }
0x1a: {  	s8 =	sadd.s32 $0xFFFFE003, lr  }
0x1b: {  	s9 =	sadd.s32 $0xFFFFFEF7, lr;
	s5 =	simm.s32 $0xFFFFFFFF;
	p2 =	slt.u32 s8, $0xFFFFF086  }
0x1c: {  	p1 =	slt.u32 s9, $0xF7A;
	s5 =	simm.s32 @!p2 $0x0  }
0x1d: {  	s5 =	simm.s32 @p1 $0x1;
	p0 =	seq.s32 s7, s2  }
0x1e: {  	s7 =	smul.u32 @!p0 $0xF7A, s2;
	p2 =	seq.s32 @!p0 s5, $0x0  }
0x1f: {  	s9 =	smul.u32 $0xF7A, s1;
	s8 =	simm.s32 @!p0 $0x1BF5;
	p2 =	por !p2, p0  }
0x20: {  	[sflag:s8] =	ssyncset.s32 @!p0 $0xFFFFF086;
	s6 =	sadd.s32 @!p0 s3, s7;
	s7 =	simm.s32 @!p0 $0x108  }
0x21: {  	s3 =	sadd.s32 s3, s9;
	s6 =	sadd.s32 @!p0 $0x88, s6;
	s7 =	simm.s32 @p2 $0x1082  }
0x22: {  	[simem:s7], [sflag:s8] =	dma.local @!p0 [hbm:s6], $0xF7A  }
0x23: {  	s9 =	sor.u32 $0xD0000000, s2;
	s6 =	simm.s32 $0x108;
	_ =	swait.ge @!p0 [sflag:s8], $0x0  }
0x24: {  	s3 =	sadd.s32 $0x88, s3;
	s6 =	simm.s32 @!p1 $0x1082;
	[sflag:s4] =	ssyncset.s32 $0xFFFFF086  }
0x25: {  	[simem:s6], [sflag:s4] =	dma.local [hbm:s3], $0xF7A  }
0x26: {  	[smem:$0x3F98] =	sst s1;
	(tag) =	ssettag s2;
	_ =	strace s9  }
0x27: {  	s1 =	sld [smem:$0x3FA8]  }
0x28: {  	s2 =	sld [smem:$0x3FA9]  }
0x29: {  	s4 =	sld [smem:$0x3FAB]  }
0x2a: {  	p0 =	seq.s32 s5, $0x0;
	s5 =	sld [smem:$0x3FAC]  }
0x2b: {  	s6 =	sld [smem:$0x3FAD]  }
0x2c: {  	s7 =	sld [smem:$0x3FAE]  }
0x2d: {  	s3 =	simm.s32 $0x108;
	s8 =	sld [smem:$0x3FAF]  }
0x2e: {  	s3 =	simm.s32 @!p0 $0x1082;
	s9 =	sld [smem:$0x3FB0]  }
0x2f: {  	lr =	sadd.s32 s0, s3;
	s0 =	sld [smem:$0x3FA7]  }
0x30: {  	s3 =	sld [smem:$0x3FAA]  }
0x31: {  	[smem:$0x3FB3] =	sst s10  }
0x32: {  	s10 =	sld [smem:$0x3FB1];
	_ =	sdelay $0x3  }
0x33: {  	p0 =	seq.s32 s10, $0x1;
	s10 =	sld [smem:$0x3FB3];
	_ =	sdelay $0x3  }
0x34: {  	[smem:$0x3FB3] =	sst s10  }
0x35: {  	s10 =	sld [smem:$0x3FB2];
	_ =	sdelay $0x3  }
0x36: {  	p1 =	seq.s32 s10, $0x1;
	s10 =	sld [smem:$0x3FB3];
	_ =	sdelay $0x3  }
0x37: {  	[smem:$0x3FB3] =	sst s10  }
0x38: {  	s10 =	sld [smem:$0x3FB4]  }
0x39: {  	_ = 	snop;
	(pc) =	sbr.ind lr, $3  }
0x3a: {  	_ = 	snop  }
0x3b: {  	_ = 	snop  }
0x3c: {  	p2 =	seq.s32 s10, $0x1;
	s10 =	sld [smem:$0x3FB3]  }
0x3d: {  	_ =	shalt  }
0x3e: {  	_ =	shalt  }
0x3f: {  	_ =	shalt  }
0x40: {  	_ =	shalt  }
0x41: {  	_ =	shalt  }
0x42: {  	_ =	shalt  }
0x43: {  	_ =	shalt  }
0x44: {  	_ =	shalt  }
0x45: {  	_ =	shalt  }
0x46: {  	_ =	shalt  }
0x47: {  	_ =	shalt  }
0x48: {  	_ =	shalt  }
0x49: {  	_ =	shalt  }
0x4a: {  	_ =	shalt  }
0x4b: {  	_ =	shalt  }
0x4c: {  	_ =	shalt  }
0x4d: {  	_ =	shalt  }
0x4e: {  	_ =	shalt  }
0x4f: {  	_ =	shalt  }
0x50: {  	_ =	shalt  }
0x51: {  	_ =	shalt  }
0x52: {  	_ =	shalt  }
0x53: {  	_ =	shalt  }
0x54: {  	_ =	shalt  }
0x55: {  	_ =	shalt  }
0x56: {  	_ =	shalt  }
0x57: {  	_ =	shalt  }
0x58: {  	_ =	shalt  }
0x59: {  	_ =	shalt  }
0x5a: {  	_ =	shalt  }
0x5b: {  	_ =	shalt  }
0x5c: {  	_ =	shalt  }
0x5d: {  	_ =	shalt  }
0x5e: {  	_ =	shalt  }
0x5f: {  	_ =	shalt  }
0x60: {  	_ =	shalt  }
0x61: {  	_ =	shalt  }
0x62: {  	_ =	shalt  }
0x63: {  	_ =	shalt  }
0x64: {  	_ =	shalt  }
0x65: {  	_ =	shalt  }
0x66: {  	_ =	shalt  }
0x67: {  	_ =	shalt  }
0x68: {  	_ =	shalt  }
0x69: {  	_ =	shalt  }
0x6a: {  	_ =	shalt  }
0x6b: {  	_ =	shalt  }
0x6c: {  	_ =	shalt  }
0x6d: {  	_ =	shalt  }
0x6e: {  	_ =	shalt  }
0x6f: {  	_ =	shalt  }
0x70: {  	_ =	shalt  }
0x71: {  	_ =	shalt  }
0x72: {  	_ =	shalt  }
0x73: {  	_ =	shalt  }
0x74: {  	_ =	shalt  }
0x75: {  	_ =	shalt  }
0x76: {  	_ =	shalt  }
0x77: {  	_ =	shalt  }
0x78: {  	_ =	shalt  }
0x79: {  	_ =	shalt  }
0x7a: {  	_ =	shalt  }
0x7b: {  	_ =	shalt  }
0x7c: {  	_ =	shalt  }
0x7d: {  	_ =	shalt  }
0x7e: {  	_ =	shalt  }
0x7f: {  	_ =	shalt  }
0x80: {  	_ =	shalt  }
0x81: {  	_ =	shalt  }
0x82: {  	_ =	shalt  }
0x83: {  	_ =	shalt  }
0x84: {  	_ =	shalt  }
0x85: {  	_ =	shalt  }
0x86: {  	_ =	shalt  }
0x87: {  	_ =	shalt  }
.Lfunc_end0:
.L_simem_size_0:
called_computation_lowered:
.L_overlay_start_0:
0x88: {  	s2 =	sld [smem:$0x3FD9]  }
0x89: {  	s3 =	sld [smem:$0x3FFE];
	_ =	sdelay $0x1  }
0x8a: {  	s1 =	srdreg.scid  }
0x8b: {  	s0 =	sand.u32 $0x1, s1  }
0x8c: {  	s17 =	sshll.u32 s0, $0xA;
	s2 =	sadd.s32 s3, s2  }
0x8d: {  	s2 =	sadd.s32 s2, s17  }
0x8e: {  	[smem:$0x3FBF] =	sst s2  }
0x8f: {  	_ = 	snop  }
0x90: {  	s2 =	sld [smem:$0x3FD0];
	(tm) =	ssettm $0x1  }
0x91: {  	s18 =	sld [smem:$0x3FFB];
	_ =	sdelay $0x3  }
0x92: {  	_ =	strace s18  }
0x93: {  	s3 =	sld [smem:$0x3FFC];
	_ =	sdelay $0x3  }
0x94: {  	_ =	strace s3  }
0x95: {  	s3 =	sld [smem:$0x3FFD];
	_ =	sdelay $0x3  }
0x96: {  	_ =	strace s3  }
0x97: {  	_ =	strace $0x8FFFFFFF  }
0x98: {  	s19 =	sld [smem:$0x3FDB];
	_ =	sdelay $0x1  }
0x99: {  	s4 =	simm.s32 $_scs_section_size  }
0x9a: {  	s5 =	simm.s32 $_size__tile_overlayer_lowered;
	s6 =	simm.s32 $_tile_overlayer_lowered  }
0x9b: {  	s22 =	simm.s32 $0x1BFF;
	s21 =	sshll.u32 s6, $0x1;
	s3 =	sadd.s32 s4, s19  }
0x9c: {  	s7 =	simm.s32 $0x0;
	s20 =	sshll.u32 s5, $0x1;
	s5 =	sadd.s32 s21, s3  }
0x9d: {  	[timem:s7], [sflag:s22] =	dma.local [hbm:s5], s20  }
0x9e: {  	_ =	swait.ge [sflag:s22], s20  }
0x9f: {  	s4 =	ssub.s32 $0x0, s20;
	[sflag:s22] =	ssyncset.done $0x0  }
0xa0: {  	[sflag:s22] =	ssyncadd.s32 s4;
	_ =	sdelay $0x1  }
0xa1: {  	s23 =	simm.s32 $0x1B8B  }
0xa2: {  	_ =	swait.ge [sflag:s23], $0x1  }
0xa3: {  	[sflag:s23] =	ssyncset.done $0x0  }
0xa4: {  	s25 =	simm.s32 $0x1B8E;
	s24 =	sld [smem:$0x3FFE];
	[sflag:s23] =	ssyncadd.s32 $0xFFFFFFFF  }
0xa5: {  	s26 =	simm.s32 $execute0_lowered;
	[smem:$0x3FD2] =	sst s25  }
0xa6: {  	s5 =	sshll.u32 s26, $0x1;
	_ =	strace $0x80000046;
	[dreg:$0x1] =	wrdreg $0xFFFFFFFF  }
0xa7: {  	s28 =	simm.s32 $_size_execute0_lowered;
	s3 =	sadd.s32 s3, s5;
	[dreg:$0x0] =	wrdreg $0x0  }
0xa8: {  	s5 =	sshll.u32 s28, $0x1;
	[dreg:$0x2] =	wrdreg s3  }
0xa9: {  	[dreg:$0x3] =	wrdreg s5  }
0xaa: {  	[dreg:$0x4] =	wrdreg $0xC0  }
0xab: {  	_ =	task [dreg:s7], $0x5FFFF  }
0xac: {  	[dreg:$0x1] =	wrdreg $0xFFFFFFFF  }
0xad: {  	[dreg:$0x0] =	wrdreg $0x60  }
0xae: {  	[dreg:$0x2] =	wrdreg s24  }
0xaf: {  	[dreg:$0x3] =	wrdreg s2  }
0xb0: {  	[dreg:$0x4] =	wrdreg $0x9  }
0xb1: {  	_ =	task.clear_ibuf [dreg:s7], $0x5FFFF;
	_ =	strace $0x90000046  }
0xb2: {  	s29 =	simm.s32 $0x9;
	_ =	strace $0x80000048  }
0xb3: {  	_ =	swait.ge [sflag:s29], $0x1  }
0xb4: {  	[sflag:s29] =	ssyncadd.s32 $0xFFFFFFFF  }
0xb5: {  	_ =	strace $0x90000048  }
0xb6: {  	_ =	sfence  }
0xb7: {  	s30 =	sld [smem:$0x0];
	_ =	sdelay $0x2  }
0xb8: {  	s31 =	sshll.u32 s1, $0xD;
	s1 =	sshrl.u32 s1, $0x2  }
0xb9: {  	s3 =	sand.u32 $0x4000, s31;
	s1 =	sadd.s32 s1, s30  }
0xba: {  	s0 =	sor.u32 s3, s0;
	s1 =	sshll.u32 s1, $0x11  }
0xbb: {  	s0 =	sor.u32 s1, s0  }
0xbc: {  	s0 =	sadd.s32 $0x8F2B, s0  }
0xbd: {  	[sflag:s0] =	ssyncadd.remote.s32 $0x1  }
0xbe: {  	_ =	sfence.sel $0xFFFF  }
0xbf: {  	[dreg:$0x0] =	wrdreg $0xFFFFFFFF;
	(pc) =	sbr.abs _section_cstart, $3  }
0xc0: {  	[dreg:$0x1] =	wrdreg $0xFFFFFFFF  }
0xc1: {  	_ =	task.clear_ibuf [dreg:s7], $0x2FFFF;
	_ =	strace $0x9FFFFFFF  }
0xc2: {  	(tm) =	ssettm $0x7FFFFFFF  }
0xc3: {  	_ =	shalt  }
tec
execute0_lowered:
.L_overlay_start_1:
0x0: {  	(tag) =	ssettag $0x1  }
0x1: {  	s4 =	rddreg [dreg:$0x0]  }
0x2: {  	s2 =	rddreg [dreg:$0x1]  }
0x3: {  	s0 =	rddreg [dreg:$0x2]  }
0x4: {  	s5 =	srdreg.scid;
	s3 =	simm.s32 $0x0;
	s1 =	stileid.u32  }
0x5: {  	s10 =	simm.s32 $0x10080;
	s11 =	simm.s32 $0x0;
	s5 =	sand.u32 $0x1, s5  }
0x6: {  	[smem:$0x7FF] =	sst s3;
	s7 =	sshll.u32 s1, $0xB;
	s6 =	sshll.u32 s5, $0xF  }
0x7: {  	_ =	strace $0x80000047;
	s5 =	ssub.s32 $0x2, s5;
	s9 =	sor.u32 s7, s6  }
0x8: {  	s31 =	sshrl.u32 s5, $0x1;
	s6 =	sshll.u32 s9, $0x4;
	s7 =	sshrl.u32 s9, $0x3  }
0x9: {  	s8 =	ssub.s32 s5, s31;
	v0 =	vmov s9;
	s9 =	simm.s32 $0x1;
	s6 =	sadd.s32 s6, s4  }
0xa: {  	s7 =	sadd.s32 s7, s4;
	s4 =	sadd.s32 $0x2000, s6;
	s5 =	sadd.s32 $0x102000, s6  }
0xb: {  	v1 =	vlaneseq.u32;
	s6 =	sadd.s32 $0x202000, s7;
	s7 =	smax.u32 s8, $0x1;
	s8 =	simm.s32 $0x10000  }
.LBB2_1:
0xc: {  	[tilespmem:s8], [sflag:$0x1] =	stream.linear.gather [hbm4b:s2+s3], $0x80, $0x38;
	[tilespmem:$0x10880] =	vst v63  }
0xd: {  	v2 =	vor.u32 s3, v1;
	_ =	swait.ge [sflag:s9], $0x80  }
0xe: {  	v5 =	vshll.u32 v2, $0x7;
	[sflag:s9] =	ssyncset.done $0x0  }
0xf: {  	v6 =	vor.u32 $0x3, v5;
	[sflag:s9] =	ssyncadd.s32 $0xFFFFFF80  }
0x10: {  	v7 =	vor.u32 $0x4, v5;
	v3 =	vld [tilespmem:$0x10000];
	[tilespmem:s3], [sflag:$0x1] =	stream.linear.gather [hbm4b:s4+s3], $0x10000, $0x38  }
0x11: {  	_ =	swait.ge [sflag:s9], $0x10000  }
0x12: {  	s12 =	simm.s32 $0x10;
	v9 =	vor.u32 $0x8, v5;
	[sflag:s9] =	ssyncset.done $0x0  }
0x13: {  	v4 =	vor.u32 s12, v1;
	[sflag:s9] =	ssyncadd.s32 $0xFFFF0000  }
0x14: {  	v8 =	vor.u32 $0x7, v5;
	v14 =	vshll.u32 v4, $0x7;
	v17 =	vld.idx.msk [tilespmem:v6+s3+$0x0], $0xffff  }
0x15: {  	v16 =	vor.u32 $0x3, v14;
	v18 =	vld.idx.msk [tilespmem:v7+s3+$0x0], $0xffff  }
0x16: {  	v21 =	vor.u32 $0x4, v14  }
0x17: {  	v15 =	vor.u32 $0x7, v14;
	v6 =	vld.idx.msk [tilespmem:v9+s3+$0x0], $0xffff  }
0x18: {  	v14 =	vor.u32 $0x8, v14;
	v10 =	vbroadcast v3, $0x0;
	v11 =	vbroadcast v3, $0x1  }
0x19: {  	v12 =	vimm.f32 $-Inf;
	s31 =	simm.s32 $0x20;
	v5 =	vimm.f32 $0.0e+00;
	v13 =	vld.idx.msk [tilespmem:v8+s3+$0x0], $0xffff  }
0x1a: {  	v9 =	vor.u32 s31, v1;
	v16 =	vld.idx.msk [tilespmem:v16+s3+$0x0], $0xffff;
	v19 =	vmul.f32 v17, v10;
	v20 =	vmul.f32 v18, v11  }
0x1b: {  	s12 =	simm.s32 $0x30;
	v7 =	vimm.s32 $0x0;
	v8 =	vimm.f32 $0.0e+00;
	v18 =	vshll.u32 v9, $0x7;
	v17 =	vld.idx.msk [tilespmem:v21+s3+$0x0], $0xffff  }
.LBB2_2:
0x1c: {  	p0 =	sne.s32 s12, $0x1F0;
	v21 =	vor.u32 $0x3, v18;
	v22 =	vld.idx.msk [tilespmem:v15+s3+$0x0], $0xffff;
	v15 =	vor.u32 $0x7, v18;
	v19 =	vadd.f32 v20, v19;
	v20 =	vmovc v6  }
0x1d: {  	v23 =	vor.u32 $0x4, v18;
	v6 =	vld.idx.msk [tilespmem:v14+s3+$0x0], $0xffff;
	v14 =	vor.u32 $0x8, v18  }
.Ltmp0:
0x1e: {  	vm0 =	vgt.f32 v19, v12;
	(pc) =	sbr.rel @p0 .LBB2_2-.Ltmp0, $4  }
0x1f: {  	v12 =	vsel vm0, v19, v12;
	v7 =	vsel vm0, v2, v7;
	v5 =	vsel vm0, v13, v5;
	v2 =	vmovc v4  }
0x20: {  	v8 =	vsel vm0, v20, v8;
	v4 =	vmov v9  }
0x21: {  	v9 =	vor.u32 s12, v1;
	v19 =	vmul.f32 v16, v10;
	v20 =	vmul.f32 v17, v11;
	v16 =	vld.idx.msk [tilespmem:v21+s3+$0x0], $0xffff  }
0x22: {  	s12 =	sadd.s32 $0x10, s12;
	v18 =	vshll.u32 v9, $0x7;
	v13 =	vmov v22;
	v17 =	vld.idx.msk [tilespmem:v23+s3+$0x0], $0xffff  }
0x23: {  	v21 =	vor.u32 $0x3, v18  }
0x24: {  	v22 =	vor.u32 $0x4, v18;
	_ =	sdelay $0x3  }
0x25: {  	v21 =	vld.idx.msk [tilespmem:v21+s3+$0x0], $0xffff  }
0x26: {  	v22 =	vld.idx.msk [tilespmem:v22+s3+$0x0], $0xffff  }
0x27: {  	v19 =	vadd.f32 v20, v19  }
0x28: {  	v20 =	vor.u32 $0x7, v18;
	v16 =	vmul.f32 v16, v10;
	v17 =	vmul.f32 v17, v11;
	_ =	sdelay $0x1  }
0x29: {  	v18 =	vor.u32 $0x8, v18;
	vm0 =	vgt.f32 v19, v12;
	v16 =	vadd.f32 v17, v16  }
0x2a: {  	v12 =	vsel vm0, v19, v12;
	v10 =	vmul.f32 v21, v10;
	v11 =	vmul.f32 v22, v11  }
0x2b: {  	v15 =	vld.idx.msk [tilespmem:v15+s3+$0x0], $0xffff;
	vm1 =	vgt.f32 v16, v12  }
0x2c: {  	v2 =	vsel vm0, v2, v7;
	v7 =	vsel vm1, v16, v12;
	v12 =	vld.idx.msk [tilespmem:v20+s3+$0x0], $0xffff;
	v10 =	vadd.f32 v11, v10  }
0x2d: {  	v11 =	vld.idx.msk [tilespmem:v14+s3+$0x0], $0xffff  }
0x2e: {  	v2 =	vsel vm1, v4, v2;
	v4 =	vld.idx.msk [tilespmem:v18+s3+$0x0], $0xffff;
	vm2 =	vgt.f32 v10, v7  }
0x2f: {  	v5 =	vsel vm0, v13, v5;
	v2 =	vsel vm2, v9, v2  }
0x30: {  	v5 =	vsel vm1, v15, v5;
	v7 =	vsel vm2, v10, v7;
	v2 =	vadd.s32 v0, v2  }
0x31: {  	s12 =	simm.s32 $0x0;
	v6 =	vsel vm0, v6, v8;
	v5 =	vsel vm2, v12, v5;
	[tilespmem:$0x10080] =	vst v7;
	v2 =	vcvt.s32.f32 v2  }
0x32: {  	v9 =	vor.u32 s12, v1;
	[tilespmem:$0x10180] =	vst v5;
	v6 =	vsel vm1, v11, v6  }
0x33: {  	[tilespmem:$0x10100] =	vst v2;
	v2 =	vsel vm2, v4, v6;
	v4 =	vshll.u32 v9, $0x7  }
0x34: {  	s29 =	simm.s32 $0x10;
	[tilespmem:$0x10200] =	vst v2;
	v5 =	vor.u32 $0x6, v4  }
0x35: {  	v6 =	vor.u32 $0x5, v4;
	[tilespmem:s12], [sflag:$0x1] =	stream.linear.gather [hbm4b:s5+s12], $0x10000, $0x38;
	[tilespmem:$0x10880] =	vst v63  }
0x36: {  	v2 =	vor.u32 s29, v1;
	_ =	swait.ge [sflag:s9], $0x10000  }
0x37: {  	v8 =	vshll.u32 v2, $0x7;
	[sflag:s9] =	ssyncset.done $0x0  }
0x38: {  	v12 =	vor.u32 $0x6, v8;
	[sflag:s9] =	ssyncadd.s32 $0xFFFF0000  }
0x39: {  	v13 =	vor.u32 $0x5, v8;
	v7 =	vld.idx.msk [tilespmem:v5+s3+$0x0], $0xffff  }
0x3a: {  	v19 =	vld.idx.msk [tilespmem:v6+s3+$0x0], $0xffff  }
0x3b: {  	v17 =	vimm.s32 $0x0  }
0x3c: {  	v16 =	vimm.f32 $-Inf;
	v10 =	vbroadcast v3, $0x3;
	v6 =	vbroadcast v3, $0x5  }
0x3d: {  	s30 =	simm.s32 $0x20;
	v11 =	vbroadcast v3, $0x2;
	v14 =	vor.u32 $0x8, v4;
	v5 =	vbroadcast v3, $0x4;
	v12 =	vld.idx.msk [tilespmem:v12+s3+$0x0], $0xffff  }
0x3e: {  	v4 =	vor.u32 s30, v1;
	v3 =	vld.idx.msk [tilespmem:v13+s3+$0x0], $0xffff;
	v15 =	vmul.f32 v7, v10;
	v7 =	vmul.f32 v7, v6  }
0x3f: {  	v21 =	vshll.u32 v4, $0x7;
	v18 =	vmul.f32 v19, v11;
	v20 =	vmul.f32 v19, v5  }
0x40: {  	v23 =	vor.u32 $0x8, v8;
	v8 =	vor.u32 $0x5, v21;
	v13 =	vor.u32 $0x6, v21  }
0x41: {  	v22 =	vadd.f32 v15, v18;
	v28 =	vadd.f32 v7, v20;
	v20 =	vimm.f32 $0.0e+00  }
0x42: {  	s31 =	simm.s32 $0x30;
	v30 =	vld.idx.msk [tilespmem:v14+s3+$0x0], $0xffff;
	v15 =	vor.u32 $0x8, v21;
	v21 =	vmul.f32 v12, v10;
	v31 =	vmul.f32 v12, v6  }
0x43: {  	v12 =	vor.u32 s31, v1;
	v25 =	vmul.f32 v3, v11;
	v32 =	vmul.f32 v3, v5  }
0x44: {  	v27 =	vshll.u32 v12, $0x7;
	vm1 =	vgt.f32 v22, v16;
	vm0 =	vgt.f32 v28, v16  }
0x45: {  	v24 =	vld.idx.msk [tilespmem:v13+s3+$0x0], $0xffff;
	v26 =	vor.u32 $0x5, v27;
	v29 =	vor.u32 $0x6, v27;
	v25 =	vadd.f32 v21, v25  }
0x46: {  	v8 =	vld.idx.msk [tilespmem:v8+s3+$0x0], $0xffff;
	v21 =	vadd.f32 v31, v32;
	v18 =	vsel vm1, v9, v17;
	v7 =	vsel vm0, v19, v20  }
0x47: {  	s12 =	simm.s32 $0x40;
	v14 =	vld.idx.msk [tilespmem:v23+s3+$0x0], $0xffff;
	v22 =	vsel vm1, v22, v16;
	v13 =	vsel vm0, v30, v20;
	v23 =	vsel vm1, v30, v20  }
.LBB2_4:
0x48: {  	p0 =	sne.s32 s12, $0x1F0;
	v20 =	vsel vm1, v19, v20;
	v16 =	vsel vm0, v28, v16;
	v17 =	vsel vm0, v9, v17;
	v30 =	vmovc v15;
	s13 =	smov.u32 s12;
	s12 =	sadd.s32 $0x10, s12  }
0x49: {  	v15 =	vor.u32 $0x8, v27;
	v9 =	vmovc v2;
	v2 =	vmovc v4;
	vm1 =	vgt.f32 v25, v22;
	vm0 =	vgt.f32 v21, v16  }
.Ltmp1:
0x4a: {  	v4 =	vmovc v12;
	v31 =	vmul.f32 v24, v10;
	v32 =	vmul.f32 v24, v6;
	v18 =	vsel vm1, v9, v18;
	(pc) =	sbr.rel @p0 .LBB2_4-.Ltmp1, $4  }
0x4b: {  	v19 =	vmovc v3;
	v12 =	vor.u32 s13, v1;
	v33 =	vmul.f32 v8, v11;
	v7 =	vsel vm0, v3, v7;
	v24 =	vld.idx.msk [tilespmem:v29+s3+$0x0], $0xffff  }
0x4c: {  	v27 =	vshll.u32 v12, $0x7;
	v34 =	vmul.f32 v8, v5;
	v22 =	vsel vm1, v25, v22;
	v3 =	vmovc v8;
	v8 =	vld.idx.msk [tilespmem:v26+s3+$0x0], $0xffff  }
0x4d: {  	v28 =	vmovc v21;
	v29 =	vor.u32 $0x6, v27;
	v26 =	vor.u32 $0x5, v27;
	v13 =	vsel vm0, v14, v13  }
0x4e: {  	v25 =	vadd.f32 v31, v33;
	v21 =	vadd.f32 v32, v34;
	v23 =	vsel vm1, v14, v23;
	v14 =	vld.idx.msk [tilespmem:v30+s3+$0x0], $0xffff  }
0x4f: {  	_ =	sdelay $0x3  }
0x50: {  	v29 =	vld.idx.msk [tilespmem:v29+s3+$0x0], $0xffff;
	v19 =	vsel vm1, v19, v20  }
0x51: {  	v26 =	vld.idx.msk [tilespmem:v26+s3+$0x0], $0xffff;
	v16 =	vsel vm0, v28, v16;
	v9 =	vsel vm0, v9, v17;
	v44 =	vor.u32 $0x8, v27  }
0x52: {  	vm13 =	vgt.f32 v25, v22;
	v45 =	vmul.f32 v24, v10;
	v47 =	vmul.f32 v24, v6  }
0x53: {  	vm14 =	vgt.f32 v21, v16;
	v46 =	vmul.f32 v8, v11;
	v48 =	vmul.f32 v8, v5  }
0x54: {  	v18 =	vsel vm13, v2, v18;
	v22 =	vsel vm13, v25, v22;
	v52 =	vsel vm13, v3, v19  }
0x55: {  	v16 =	vsel vm14, v21, v16;
	v2 =	vsel vm14, v2, v9;
	v20 =	vadd.f32 v45, v46  }
0x56: {  	v51 =	vld.idx.msk [tilespmem:v15+s3+$0x0], $0xffff;
	v24 =	vadd.f32 v47, v48;
	v49 =	vmul.f32 v29, v10;
	v50 =	vmul.f32 v26, v11  }
0x57: {  	v23 =	vsel vm13, v14, v23;
	v62 =	vsel vm14, v14, v13;
	v53 =	vmul.f32 v29, v6;
	v17 =	vld.idx.msk [tilespmem:v44+s3+$0x0], $0xffff  }
0x58: {  	v55 =	vmul.f32 v26, v5;
	vm2 =	vgt.f32 v20, v22;
	v10 =	vadd.f32 v49, v50  }
0x59: {  	vm3 =	vgt.f32 v24, v16;
	v54 =	vsel vm2, v20, v22;
	v18 =	vsel vm2, v4, v18  }
0x5a: {  	v5 =	vadd.f32 v53, v55;
	v58 =	vsel vm3, v24, v16;
	vm15 =	vgt.f32 v10, v54  }
0x5b: {  	v59 =	vsel vm2, v51, v23;
	v2 =	vsel vm3, v4, v2;
	v10 =	vsel vm15, v10, v54  }
0x5c: {  	v60 =	vsel vm2, v8, v52;
	v63 =	vsel vm3, v51, v62;
	v61 =	vsel vm15, v17, v59;
	[tilespmem:$0x10280] =	vst v10  }
0x5d: {  	vm4 =	vgt.f32 v5, v58;
	v56 =	vsel vm15, v12, v18;
	v4 =	vsel vm15, v26, v60;
	[tilespmem:$0x10380] =	vst v61  }
0x5e: {  	v2 =	vsel vm4, v12, v2;
	v5 =	vsel vm4, v5, v58;
	v57 =	vadd.s32 v0, v56;
	[tilespmem:$0x10400] =	vst v4  }
0x5f: {  	v2 =	vadd.s32 v0, v2;
	[tilespmem:$0x10480] =	vst v5;
	v4 =	vsel vm4, v17, v63;
	v6 =	vcvt.s32.f32 v57  }
0x60: {  	v3 =	vsel vm14, v3, v7;
	v2 =	vcvt.s32.f32 v2;
	[tilespmem:$0x10580] =	vst v4  }
0x61: {  	s11 =	sadd.s32 $0x1, s11;
	v3 =	vsel vm3, v8, v3;
	[tilespmem:$0x10300] =	vst v6  }
0x62: {  	p0 =	sne.s32 s11, s7;
	[tilespmem:$0x10500] =	vst v2;
	v2 =	vsel vm4, v26, v3  }
.Ltmp2:
0x63: {  	[tilespmem:$0x10600] =	vst v2;
	(pc) =	sbr.rel @p0 .LBB2_1-.Ltmp2, $4  }
0x64: {  	[hbm4b:s6+s3] =	stream.linear.scatter [tilespmem:s10], [sflag:$0x1], $0x600, $0x38;
	[tilespmem:$0x10880] =	vst v63  }
0x65: {  	_ =	swait.ge [sflag:s9], $0x600  }
0x66: {  	[sflag:s9] =	ssyncset.done $0x0  }
0x67: {  	[sflag:s9] =	ssyncadd.s32 $0xFFFFFA00  }
0x68: {  	_ =	sfence.sel $0x180000  }
0x69: {  	[bflag:$0x0] =	sbarrier.arrive $0xFFFF  }
0x6a: {  	p0 =	sne.s32 s1, $0x0;
	_ =	strace $0x90000047  }
0x6b: {  	s0 =	sadd.s32 @!p0 $0x100000, s0;
	[bflag:$0x2] =	sbarrier.arrive $0xFFFF  }
0x6c: {  	[sflag:s0] =	ssyncadd.tile.s32 @!p0 $0x1;
	_ =	shalt  }
.Lfunc_end2:
_tile_overlayer_lowered:
.L_overlay_start_2:
0x6d: {  	(tag) =	ssettag $0x2  }
0x6e: {  	s0 =	rddreg [dreg:$0x0];
	s2 =	stileid.u32  }
0x6f: {  	s1 =	rddreg [dreg:$0x1];
	p0 =	sne.s32 s2, $0x0  }
0x70: {  	s3 =	rddreg [dreg:$0x2];
	[bflag:$0x3] =	sbarrier.arrive $0xFFFF;
	s2 =	simm.s32 @!p0 $0x1C01  }
0x71: {  	[timem:s3], [sflag:s2] =	dma.local @!p0 [hbm:s0], s1  }
0x72: {  	s0 =	simm.s32 @!p0 $0x1  }
0x73: {  	_ =	swait.ge @!p0 [sflag:s0], s1  }
0x74: {  	s1 =	ssub.s32 @!p0 $0x0, s1;
	[sflag:s0] =	ssyncset.done @!p0 $0x0  }
0x75: {  	[sflag:s0] =	ssyncadd.s32 @!p0 s1  }
0x76: {  	[bflag:$0x3] =	sbarrier.arrive $0xFFFF  }
0x77: {  	_ =	shalt  }

</sc_bundles>
